<compile_context>
chip_gen: v7x
topology: tpu7x:2x2x1
jax: 0.10.2.dev20260603
libtpu: 0.0.44.dev20260713+nightly
codegen_flags: <defaults>
</compile_context>

<pallas_src>
import functools
import jax
import jax.numpy as jnp
from jax import lax
from jax.experimental import pallas as pl
from jax.experimental.pallas import tpu as pltpu
from jax.experimental.pallas import tpu_sc as plsc

_MAXD = 128
_H = 16
_S = 2048
_E = 4104
_NROW = 1024
_LANES = 16


def _sc_body(table_hbm, out_hbm, tab_v, e8_v, sem):
    cid = lax.axis_index("c")
    sid = lax.axis_index("s")
    wid = sid * 2 + cid
    h = wid // 2
    base = (wid % 2) * _NROW

    pltpu.sync_copy(table_hbm, tab_v)

    hvec = jnp.full((_LANES,), h, jnp.int32)
    lane = lax.broadcasted_iota(jnp.int32, (_LANES,), 0)

    def build(c, carry):
        p = c * _LANES + lane
        k = jnp.clip(p - (_S - 1), -_MAXD, _MAXD) + _MAXD
        val = plsc.load_gather(tab_v, [k * _H + hvec])
        msk = p <= 2 * (_S - 1)
        for r in range(8):
            plsc.store_scatter(e8_v, [r * _E + p + r], val, mask=msk)
        return carry

    lax.fori_loop(0, _E // _LANES, build, 0)

    def emit(q, carry):
        i0 = base + q * 16
        copies = []
        for b in range(16):
            i = i0 + b
            r = (b + 1) % 8
            src_off = pl.multiple_of(r * _E + (_S - 1) - i + r, 8)
            dst_off = pl.multiple_of((h * _S + i) * _S, 8)
            copies.append(pltpu.async_copy(
                e8_v.at[pl.ds(src_off, _S)],
                out_hbm.at[pl.ds(dst_off, _S)], sem))
        for c in copies:
            c.wait()
        return carry

    lax.fori_loop(0, _NROW // 16, emit, 0)


def kernel(seq_len, table):
    tab = jnp.zeros((264 * _H,), jnp.float32).at[:(2 * _MAXD + 1) * _H].set(
        table.astype(jnp.float32).reshape(-1))
    mesh = plsc.VectorSubcoreMesh(core_axis_name="c", subcore_axis_name="s")
    run = functools.partial(
        pl.kernel,
        mesh=mesh,
        out_type=jax.ShapeDtypeStruct((_H * _S * _S,), jnp.float32),
        scratch_types=[
            pltpu.VMEM((264 * _H,), jnp.float32),
            pltpu.VMEM((8 * _E,), jnp.float32),
            pltpu.SemaphoreType.DMA,
        ],
        compiler_params=pltpu.CompilerParams(needs_layout_passes=False),
    )(_sc_body)
    return run(tab).reshape(1, _H, _S, _S)

# --- scband reference (transcript-rebuilt; emitter-appended) ---
"""Pipeline reference for scband-relative-position-bias-4810363372775 (READ-ONLY COPY).

The authoritative reference and input builder live on the scoring server;
editing this copy changes nothing except your own understanding.
"""

import jax, jax.numpy as jnp
import numpy as np

MAX_DIST = 128
NUM_HEADS = 16
SEQ_LEN = 2048

def setup_inputs(seed: int = 0) -> dict:
    key = jax.random.key(seed)
    table = jax.random.normal(key, (2 * MAX_DIST + 1, NUM_HEADS), dtype=jnp.float32) * 0.02
    return {"seq_len": 2048, "table": table}

def reference(seq_len, table):
    positions = jnp.arange(SEQ_LEN) + (seq_len - seq_len)
    context_position = positions[:, None]
    memory_position = positions[None, :]
    relative_position = memory_position - context_position
    relative_position = jnp.clip(relative_position, -MAX_DIST, MAX_DIST)
    relative_position = relative_position + MAX_DIST
    bias = jnp.take(table, relative_position, axis=0)  # [S, S, H]
    bias = jnp.transpose(bias, (2, 0, 1))[None, ...]   # [1, H, S, S]
    return bias

if __name__ == "__main__":
    import jax
    _d = setup_inputs()
    print(jax.jit(kernel)(*tuple(_d.values())))

</pallas_src>

<mosaic_0001>
#map = affine_map<(d0, d1) -> (0)>
module attributes {stable_mosaic.version = 14 : i64} {
  func.func @_sc_body(%arg0: i32, %arg1: i32, %arg2: memref<4224xf32, #tpu.memory_space<hbm>>, %arg3: memref<67108864xf32, #tpu.memory_space<hbm>>, %arg4: memref<4224xf32, #tpu.memory_space<vmem>>, %arg5: memref<32832xf32, #tpu.memory_space<vmem>>, %arg6: memref<!tpu.dma_semaphore, #tpu.memory_space<semaphore_mem>>) attributes {dimension_semantics = [#tpu.dimension_semantics<core_parallel>, #tpu.dimension_semantics<subcore_parallel>], iteration_bounds = array<i64: 2, 16>, scalar_prefetch = 0 : i64, scratch_operands = 3 : i64, tpu.core_type = #tpu.core_type<sc_vector_subcore>, window_params = [{transform_indices = #map}, {transform_indices = #map}]} {
    %mul3A = arith.constant 2 : i32
    %mul3A_0 = arith.muli %arg1, %mul3A : i32
    %add3A = arith.addi %mul3A_0, %arg0 : i32
    %jit3A = arith.constant 2 : i32
    %div3A = arith.divsi %add3A, %jit3A : i32
    %sign3A = arith.constant 0 : i32
    %sign3A_1 = arith.cmpi sgt, %add3A, %sign3A : i32
    %sign3A_2 = arith.extui %sign3A_1 : i1 to i32
    %sign3A_3 = arith.constant 0 : i32
    %sign3A_4 = arith.cmpi slt, %add3A, %sign3A_3 : i32
    %sign3A_5 = arith.extui %sign3A_4 : i1 to i32
    %sign3A_6 = arith.subi %sign3A_2, %sign3A_5 : i32
    %sign3A_7 = arith.constant 0 : i32
    %sign3A_8 = arith.cmpi sgt, %jit3A, %sign3A_7 : i32
    %sign3A_9 = arith.extui %sign3A_8 : i1 to i32
    %sign3A_10 = arith.constant 0 : i32
    %sign3A_11 = arith.cmpi slt, %jit3A, %sign3A_10 : i32
    %sign3A_12 = arith.extui %sign3A_11 : i1 to i32
    %sign3A_13 = arith.subi %sign3A_9, %sign3A_12 : i32
    %ne3A = arith.cmpi ne, %sign3A_6, %sign3A_13 : i32
    %rem3A = arith.remsi %add3A, %jit3A : i32
    %ne3A_14 = arith.constant 0 : i32
    %ne3A_15 = arith.cmpi ne, %rem3A, %ne3A_14 : i32
    %and3A = arith.andi %ne3A, %ne3A_15 : i1
    %sub3A = arith.constant 1 : i32
    %sub3A_16 = arith.subi %div3A, %sub3A : i32
    %select_n3A = arith.select %and3A, %sub3A_16, %div3A : i32
    %jit3A_17 = arith.constant 2 : i32
    %eq3A = arith.constant 0 : i32
    %eq3A_18 = arith.cmpi eq, %jit3A_17, %eq3A : i32
    %jit3A_19 = arith.constant 1 : i32
    %select_n3A_20 = arith.select %eq3A_18, %jit3A_19, %jit3A_17 : i32
    %rem3A_21 = arith.remsi %add3A, %select_n3A_20 : i32
    %ne3A_22 = arith.constant 0 : i32
    %ne3A_23 = arith.cmpi ne, %rem3A_21, %ne3A_22 : i32
    %lt3A = arith.constant 0 : i32
    %lt3A_24 = arith.cmpi slt, %rem3A_21, %lt3A : i32
    %lt3A_25 = arith.constant 0 : i32
    %lt3A_26 = arith.cmpi slt, %select_n3A_20, %lt3A_25 : i32
    %ne3A_27 = arith.xori %lt3A_24, %lt3A_26 : i1
    %and3A_28 = arith.andi %ne3A_27, %ne3A_23 : i1
    %add3A_29 = arith.addi %rem3A_21, %select_n3A_20 : i32
    %select_n3A_30 = arith.select %and3A_28, %add3A_29, %rem3A_21 : i32
    %mul3A_31 = arith.constant 1024 : i32
    %mul3A_32 = arith.muli %select_n3A_30, %mul3A_31 : i32
    "tpu.region"() ({
      %run_scoped3A = tpu.sem_alloc : memref<!tpu.dma_semaphore, #tpu.memory_space<semaphore_mem>>
      tpu.enqueue_dma source(%arg2 : memref<4224xf32, #tpu.memory_space<hbm>>) target(%arg4 : memref<4224xf32, #tpu.memory_space<vmem>>) target_semaphore(%run_scoped3A : memref<!tpu.dma_semaphore, #tpu.memory_space<semaphore_mem>>)
      tpu.wait_dma2 semaphore(%run_scoped3A : memref<!tpu.dma_semaphore, #tpu.memory_space<semaphore_mem>>) src(%arg2 : memref<4224xf32, #tpu.memory_space<hbm>>) dst(%arg4 : memref<4224xf32, #tpu.memory_space<vmem>>)
      tpu.yield
    }) : () -> ()
    %broadcast_in_dim3A = vector.broadcast %select_n3A : i32 to vector<16xi32>
    %iota3A = tpu.iota {dimensions = array<i32: 0>} : vector<16xi32>
    %scan3A = arith.constant 0 : i32
    %scan3A_33 = arith.constant 0 : i32
    %scan3A_34 = arith.constant 256 : i32
    %scan3A_35 = arith.addi %scan3A_33, %scan3A_34 : i32
    %scan3A_36 = arith.constant 1 : i32
    scf.for %scan3A_44 = %scan3A_33 to %scan3A_35 step %scan3A_36  : i32 {
      %mul3A_45 = arith.constant 16 : i32
      %mul3A_46 = arith.muli %scan3A_44, %mul3A_45 : i32
      %add3A_47 = vector.broadcast %mul3A_46 : i32 to vector<16xi32>
      %add3A_48 = arith.addi %add3A_47, %iota3A : vector<16xi32>
      %sub3A_49 = arith.constant 2047 : i32
      %sub3A_50 = vector.broadcast %sub3A_49 : i32 to vector<16xi32>
      %sub3A_51 = arith.subi %add3A_48, %sub3A_50 : vector<16xi32>
      %jit3A_52 = arith.constant -128 : i32
      %jit3A_53 = arith.constant 128 : i32
      %max3A = vector.broadcast %jit3A_52 : i32 to vector<16xi32>
      %max3A_54 = arith.maxsi %max3A, %sub3A_51 : vector<16xi32>
      %min3A = vector.broadcast %jit3A_53 : i32 to vector<16xi32>
      %min3A_55 = arith.minsi %min3A, %max3A_54 : vector<16xi32>
      %add3A_56 = arith.constant 128 : i32
      %add3A_57 = vector.broadcast %add3A_56 : i32 to vector<16xi32>
      %add3A_58 = arith.addi %min3A_55, %add3A_57 : vector<16xi32>
      %mul3A_59 = arith.constant 16 : i32
      %mul3A_60 = vector.broadcast %mul3A_59 : i32 to vector<16xi32>
      %mul3A_61 = arith.muli %add3A_58, %mul3A_60 : vector<16xi32>
      %add3A_62 = arith.addi %mul3A_61, %broadcast_in_dim3A : vector<16xi32>
      %gather3A = tpu.vector_load_idx %arg4[%add3A_62] : memref<4224xf32, #tpu.memory_space<vmem>>[vector<16xi32>], vector<16xf32>,
      %le3A = arith.constant 4094 : i32
      %le3A_63 = vector.broadcast %le3A : i32 to vector<16xi32>
      %le3A_64 = arith.cmpi sle, %add3A_48, %le3A_63 : vector<16xi32>
      %add3A_65 = arith.constant 0 : i32
      %add3A_66 = vector.broadcast %add3A_65 : i32 to vector<16xi32>
      %add3A_67 = arith.addi %add3A_66, %add3A_48 : vector<16xi32>
      %add3A_68 = arith.constant 0 : i32
      %add3A_69 = vector.broadcast %add3A_68 : i32 to vector<16xi32>
      %add3A_70 = arith.addi %add3A_67, %add3A_69 : vector<16xi32>
      tpu.vector_store_idx %arg5[%add3A_70], %gather3A masked %le3A_64 : memref<32832xf32, #tpu.memory_space<vmem>>[vector<16xi32>], vector<16xf32>, vector<16xi1>
      %add3A_71 = arith.constant 4104 : i32
      %add3A_72 = vector.broadcast %add3A_71 : i32 to vector<16xi32>
      %add3A_73 = arith.addi %add3A_72, %add3A_48 : vector<16xi32>
      %add3A_74 = arith.constant 1 : i32
      %add3A_75 = vector.broadcast %add3A_74 : i32 to vector<16xi32>
      %add3A_76 = arith.addi %add3A_73, %add3A_75 : vector<16xi32>
      tpu.vector_store_idx %arg5[%add3A_76], %gather3A masked %le3A_64 : memref<32832xf32, #tpu.memory_space<vmem>>[vector<16xi32>], vector<16xf32>, vector<16xi1>
      %add3A_77 = arith.constant 8208 : i32
      %add3A_78 = vector.broadcast %add3A_77 : i32 to vector<16xi32>
      %add3A_79 = arith.addi %add3A_78, %add3A_48 : vector<16xi32>
      %add3A_80 = arith.constant 2 : i32
      %add3A_81 = vector.broadcast %add3A_80 : i32 to vector<16xi32>
      %add3A_82 = arith.addi %add3A_79, %add3A_81 : vector<16xi32>
      tpu.vector_store_idx %arg5[%add3A_82], %gather3A masked %le3A_64 : memref<32832xf32, #tpu.memory_space<vmem>>[vector<16xi32>], vector<16xf32>, vector<16xi1>
      %add3A_83 = arith.constant 12312 : i32
      %add3A_84 = vector.broadcast %add3A_83 : i32 to vector<16xi32>
      %add3A_85 = arith.addi %add3A_84, %add3A_48 : vector<16xi32>
      %add3A_86 = arith.constant 3 : i32
      %add3A_87 = vector.broadcast %add3A_86 : i32 to vector<16xi32>
      %add3A_88 = arith.addi %add3A_85, %add3A_87 : vector<16xi32>
      tpu.vector_store_idx %arg5[%add3A_88], %gather3A masked %le3A_64 : memref<32832xf32, #tpu.memory_space<vmem>>[vector<16xi32>], vector<16xf32>, vector<16xi1>
      %add3A_89 = arith.constant 16416 : i32
      %add3A_90 = vector.broadcast %add3A_89 : i32 to vector<16xi32>
      %add3A_91 = arith.addi %add3A_90, %add3A_48 : vector<16xi32>
      %add3A_92 = arith.constant 4 : i32
      %add3A_93 = vector.broadcast %add3A_92 : i32 to vector<16xi32>
      %add3A_94 = arith.addi %add3A_91, %add3A_93 : vector<16xi32>
      tpu.vector_store_idx %arg5[%add3A_94], %gather3A masked %le3A_64 : memref<32832xf32, #tpu.memory_space<vmem>>[vector<16xi32>], vector<16xf32>, vector<16xi1>
      %add3A_95 = arith.constant 20520 : i32
      %add3A_96 = vector.broadcast %add3A_95 : i32 to vector<16xi32>
      %add3A_97 = arith.addi %add3A_96, %add3A_48 : vector<16xi32>
      %add3A_98 = arith.constant 5 : i32
      %add3A_99 = vector.broadcast %add3A_98 : i32 to vector<16xi32>
      %add3A_100 = arith.addi %add3A_97, %add3A_99 : vector<16xi32>
      tpu.vector_store_idx %arg5[%add3A_100], %gather3A masked %le3A_64 : memref<32832xf32, #tpu.memory_space<vmem>>[vector<16xi32>], vector<16xf32>, vector<16xi1>
      %add3A_101 = arith.constant 24624 : i32
      %add3A_102 = vector.broadcast %add3A_101 : i32 to vector<16xi32>
      %add3A_103 = arith.addi %add3A_102, %add3A_48 : vector<16xi32>
      %add3A_104 = arith.constant 6 : i32
      %add3A_105 = vector.broadcast %add3A_104 : i32 to vector<16xi32>
      %add3A_106 = arith.addi %add3A_103, %add3A_105 : vector<16xi32>
      tpu.vector_store_idx %arg5[%add3A_106], %gather3A masked %le3A_64 : memref<32832xf32, #tpu.memory_space<vmem>>[vector<16xi32>], vector<16xf32>, vector<16xi1>
      %add3A_107 = arith.constant 28728 : i32
      %add3A_108 = vector.broadcast %add3A_107 : i32 to vector<16xi32>
      %add3A_109 = arith.addi %add3A_108, %add3A_48 : vector<16xi32>
      %add3A_110 = arith.constant 7 : i32
      %add3A_111 = vector.broadcast %add3A_110 : i32 to vector<16xi32>
      %add3A_112 = arith.addi %add3A_109, %add3A_111 : vector<16xi32>
      tpu.vector_store_idx %arg5[%add3A_112], %gather3A masked %le3A_64 : memref<32832xf32, #tpu.memory_space<vmem>>[vector<16xi32>], vector<16xf32>, vector<16xi1>
    }
    %scan3A_37 = arith.constant 256 : i32
    %scan3A_38 = arith.constant 0 : i32
    %scan3A_39 = arith.constant 0 : i32
    %scan3A_40 = arith.constant 64 : i32
    %scan3A_41 = arith.addi %scan3A_39, %scan3A_40 : i32
    %scan3A_42 = arith.constant 1 : i32
    scf.for %scan3A_44 = %scan3A_39 to %scan3A_41 step %scan3A_42  : i32 {
      %mul3A_45 = arith.constant 16 : i32
      %mul3A_46 = arith.muli %scan3A_44, %mul3A_45 : i32
      %add3A_47 = arith.addi %mul3A_32, %mul3A_46 : i32
      %add3A_48 = arith.constant 0 : i32
      %add3A_49 = arith.addi %add3A_47, %add3A_48 : i32
      %sub3A_50 = arith.constant 6151 : i32
      %sub3A_51 = arith.subi %sub3A_50, %add3A_49 : i32
      %add3A_52 = arith.constant 1 : i32
      %add3A_53 = arith.addi %sub3A_51, %add3A_52 : i32
      %multiple_of3A = tpu.assume_multiple %add3A_53, 8 : i32
      %mul3A_54 = arith.constant 2048 : i32
      %mul3A_55 = arith.muli %select_n3A, %mul3A_54 : i32
      %add3A_56 = arith.addi %mul3A_55, %add3A_49 : i32
      %mul3A_57 = arith.constant 2048 : i32
      %mul3A_58 = arith.muli %add3A_56, %mul3A_57 : i32
      %multiple_of3A_59 = tpu.assume_multiple %mul3A_58, 8 : i32
      %dma_start3A = tpu.memref_slice %arg5[%multiple_of3A] : memref<32832xf32, #tpu.memory_space<vmem>> -> memref<2048xf32, #tpu.memory_space<vmem>>
      %dma_start3A_60 = tpu.memref_slice %arg3[%multiple_of3A_59] : memref<67108864xf32, #tpu.memory_space<hbm>> -> memref<2048xf32, #tpu.memory_space<hbm>>
      %dma_start3A_61 = tpu.memref_slice %arg3[%multiple_of3A_59] : memref<67108864xf32, #tpu.memory_space<hbm>> -> memref<2048xf32, #tpu.memory_space<hbm>>
      %dma_start3A_62 = tpu.memref_slice %arg5[%multiple_of3A] : memref<32832xf32, #tpu.memory_space<vmem>> -> memref<2048xf32, #tpu.memory_space<vmem>>
      tpu.enqueue_dma source(%dma_start3A_62 : memref<2048xf32, #tpu.memory_space<vmem>>) target(%dma_start3A_61 : memref<2048xf32, #tpu.memory_space<hbm>>) target_semaphore(%arg6 : memref<!tpu.dma_semaphore, #tpu.memory_space<semaphore_mem>>)
      %add3A_63 = arith.constant 1 : i32
      %add3A_64 = arith.addi %add3A_47, %add3A_63 : i32
      %sub3A_65 = arith.constant 10255 : i32
      %sub3A_66 = arith.subi %sub3A_65, %add3A_64 : i32
      %add3A_67 = arith.constant 2 : i32
      %add3A_68 = arith.addi %sub3A_66, %add3A_67 : i32
      %multiple_of3A_69 = tpu.assume_multiple %add3A_68, 8 : i32
      %mul3A_70 = arith.constant 2048 : i32
      %mul3A_71 = arith.muli %select_n3A, %mul3A_70 : i32
      %add3A_72 = arith.addi %mul3A_71, %add3A_64 : i32
      %mul3A_73 = arith.constant 2048 : i32
      %mul3A_74 = arith.muli %add3A_72, %mul3A_73 : i32
      %multiple_of3A_75 = tpu.assume_multiple %mul3A_74, 8 : i32
      %dma_start3A_76 = tpu.memref_slice %arg5[%multiple_of3A_69] : memref<32832xf32, #tpu.memory_space<vmem>> -> memref<2048xf32, #tpu.memory_space<vmem>>
      %dma_start3A_77 = tpu.memref_slice %arg3[%multiple_of3A_75] : memref<67108864xf32, #tpu.memory_space<hbm>> -> memref<2048xf32, #tpu.memory_space<hbm>>
      %dma_start3A_78 = tpu.memref_slice %arg3[%multiple_of3A_75] : memref<67108864xf32, #tpu.memory_space<hbm>> -> memref<2048xf32, #tpu.memory_space<hbm>>
      %dma_start3A_79 = tpu.memref_slice %arg5[%multiple_of3A_69] : memref<32832xf32, #tpu.memory_space<vmem>> -> memref<2048xf32, #tpu.memory_space<vmem>>
      tpu.enqueue_dma source(%dma_start3A_79 : memref<2048xf32, #tpu.memory_space<vmem>>) target(%dma_start3A_78 : memref<2048xf32, #tpu.memory_space<hbm>>) target_semaphore(%arg6 : memref<!tpu.dma_semaphore, #tpu.memory_space<semaphore_mem>>)
      %add3A_80 = arith.constant 2 : i32
      %add3A_81 = arith.addi %add3A_47, %add3A_80 : i32
      %sub3A_82 = arith.constant 14359 : i32
      %sub3A_83 = arith.subi %sub3A_82, %add3A_81 : i32
      %add3A_84 = arith.constant 3 : i32
      %add3A_85 = arith.addi %sub3A_83, %add3A_84 : i32
      %multiple_of3A_86 = tpu.assume_multiple %add3A_85, 8 : i32
      %mul3A_87 = arith.constant 2048 : i32
      %mul3A_88 = arith.muli %select_n3A, %mul3A_87 : i32
      %add3A_89 = arith.addi %mul3A_88, %add3A_81 : i32
      %mul3A_90 = arith.constant 2048 : i32
      %mul3A_91 = arith.muli %add3A_89, %mul3A_90 : i32
      %multiple_of3A_92 = tpu.assume_multiple %mul3A_91, 8 : i32
      %dma_start3A_93 = tpu.memref_slice %arg5[%multiple_of3A_86] : memref<32832xf32, #tpu.memory_space<vmem>> -> memref<2048xf32, #tpu.memory_space<vmem>>
      %dma_start3A_94 = tpu.memref_slice %arg3[%multiple_of3A_92] : memref<67108864xf32, #tpu.memory_space<hbm>> -> memref<2048xf32, #tpu.memory_space<hbm>>
      %dma_start3A_95 = tpu.memref_slice %arg3[%multiple_of3A_92] : memref<67108864xf32, #tpu.memory_space<hbm>> -> memref<2048xf32, #tpu.memory_space<hbm>>
      %dma_start3A_96 = tpu.memref_slice %arg5[%multiple_of3A_86] : memref<32832xf32, #tpu.memory_space<vmem>> -> memref<2048xf32, #tpu.memory_space<vmem>>
      tpu.enqueue_dma source(%dma_start3A_96 : memref<2048xf32, #tpu.memory_space<vmem>>) target(%dma_start3A_95 : memref<2048xf32, #tpu.memory_space<hbm>>) target_semaphore(%arg6 : memref<!tpu.dma_semaphore, #tpu.memory_space<semaphore_mem>>)
      %add3A_97 = arith.constant 3 : i32
      %add3A_98 = arith.addi %add3A_47, %add3A_97 : i32
      %sub3A_99 = arith.constant 18463 : i32
      %sub3A_100 = arith.subi %sub3A_99, %add3A_98 : i32
      %add3A_101 = arith.constant 4 : i32
      %add3A_102 = arith.addi %sub3A_100, %add3A_101 : i32
      %multiple_of3A_103 = tpu.assume_multiple %add3A_102, 8 : i32
      %mul3A_104 = arith.constant 2048 : i32
      %mul3A_105 = arith.muli %select_n3A, %mul3A_104 : i32
      %add3A_106 = arith.addi %mul3A_105, %add3A_98 : i32
      %mul3A_107 = arith.constant 2048 : i32
      %mul3A_108 = arith.muli %add3A_106, %mul3A_107 : i32
      %multiple_of3A_109 = tpu.assume_multiple %mul3A_108, 8 : i32
      %dma_start3A_110 = tpu.memref_slice %arg5[%multiple_of3A_103] : memref<32832xf32, #tpu.memory_space<vmem>> -> memref<2048xf32, #tpu.memory_space<vmem>>
      %dma_start3A_111 = tpu.memref_slice %arg3[%multiple_of3A_109] : memref<67108864xf32, #tpu.memory_space<hbm>> -> memref<2048xf32, #tpu.memory_space<hbm>>
      %dma_start3A_112 = tpu.memref_slice %arg3[%multiple_of3A_109] : memref<67108864xf32, #tpu.memory_space<hbm>> -> memref<2048xf32, #tpu.memory_space<hbm>>
      %dma_start3A_113 = tpu.memref_slice %arg5[%multiple_of3A_103] : memref<32832xf32, #tpu.memory_space<vmem>> -> memref<2048xf32, #tpu.memory_space<vmem>>
      tpu.enqueue_dma source(%dma_start3A_113 : memref<2048xf32, #tpu.memory_space<vmem>>) target(%dma_start3A_112 : memref<2048xf32, #tpu.memory_space<hbm>>) target_semaphore(%arg6 : memref<!tpu.dma_semaphore, #tpu.memory_space<semaphore_mem>>)
      %add3A_114 = arith.constant 4 : i32
      %add3A_115 = arith.addi %add3A_47, %add3A_114 : i32
      %sub3A_116 = arith.constant 22567 : i32
      %sub3A_117 = arith.subi %sub3A_116, %add3A_115 : i32
      %add3A_118 = arith.constant 5 : i32
      %add3A_119 = arith.addi %sub3A_117, %add3A_118 : i32
      %multiple_of3A_120 = tpu.assume_multiple %add3A_119, 8 : i32
      %mul3A_121 = arith.constant 2048 : i32
      %mul3A_122 = arith.muli %select_n3A, %mul3A_121 : i32
      %add3A_123 = arith.addi %mul3A_122, %add3A_115 : i32
      %mul3A_124 = arith.constant 2048 : i32
      %mul3A_125 = arith.muli %add3A_123, %mul3A_124 : i32
      %multiple_of3A_126 = tpu.assume_multiple %mul3A_125, 8 : i32
      %dma_start3A_127 = tpu.memref_slice %arg5[%multiple_of3A_120] : memref<32832xf32, #tpu.memory_space<vmem>> -> memref<2048xf32, #tpu.memory_space<vmem>>
      %dma_start3A_128 = tpu.memref_slice %arg3[%multiple_of3A_126] : memref<67108864xf32, #tpu.memory_space<hbm>> -> memref<2048xf32, #tpu.memory_space<hbm>>
      %dma_start3A_129 = tpu.memref_slice %arg3[%multiple_of3A_126] : memref<67108864xf32, #tpu.memory_space<hbm>> -> memref<2048xf32, #tpu.memory_space<hbm>>
      %dma_start3A_130 = tpu.memref_slice %arg5[%multiple_of3A_120] : memref<32832xf32, #tpu.memory_space<vmem>> -> memref<2048xf32, #tpu.memory_space<vmem>>
      tpu.enqueue_dma source(%dma_start3A_130 : memref<2048xf32, #tpu.memory_space<vmem>>) target(%dma_start3A_129 : memref<2048xf32, #tpu.memory_space<hbm>>) target_semaphore(%arg6 : memref<!tpu.dma_semaphore, #tpu.memory_space<semaphore_mem>>)
      %add3A_131 = arith.constant 5 : i32
      %add3A_132 = arith.addi %add3A_47, %add3A_131 : i32
      %sub3A_133 = arith.constant 26671 : i32
      %sub3A_134 = arith.subi %sub3A_133, %add3A_132 : i32
      %add3A_135 = arith.constant 6 : i32
      %add3A_136 = arith.addi %sub3A_134, %add3A_135 : i32
      %multiple_of3A_137 = tpu.assume_multiple %add3A_136, 8 : i32
      %mul3A_138 = arith.constant 2048 : i32
      %mul3A_139 = arith.muli %select_n3A, %mul3A_138 : i32
      %add3A_140 = arith.addi %mul3A_139, %add3A_132 : i32
      %mul3A_141 = arith.constant 2048 : i32
      %mul3A_142 = arith.muli %add3A_140, %mul3A_141 : i32
      %multiple_of3A_143 = tpu.assume_multiple %mul3A_142, 8 : i32
      %dma_start3A_144 = tpu.memref_slice %arg5[%multiple_of3A_137] : memref<32832xf32, #tpu.memory_space<vmem>> -> memref<2048xf32, #tpu.memory_space<vmem>>
      %dma_start3A_145 = tpu.memref_slice %arg3[%multiple_of3A_143] : memref<67108864xf32, #tpu.memory_space<hbm>> -> memref<2048xf32, #tpu.memory_space<hbm>>
      %dma_start3A_146 = tpu.memref_slice %arg3[%multiple_of3A_143] : memref<67108864xf32, #tpu.memory_space<hbm>> -> memref<2048xf32, #tpu.memory_space<hbm>>
      %dma_start3A_147 = tpu.memref_slice %arg5[%multiple_of3A_137] : memref<32832xf32, #tpu.memory_space<vmem>> -> memref<2048xf32, #tpu.memory_space<vmem>>
      tpu.enqueue_dma source(%dma_start3A_147 : memref<2048xf32, #tpu.memory_space<vmem>>) target(%dma_start3A_146 : memref<2048xf32, #tpu.memory_space<hbm>>) target_semaphore(%arg6 : memref<!tpu.dma_semaphore, #tpu.memory_space<semaphore_mem>>)
      %add3A_148 = arith.constant 6 : i32
      %add3A_149 = arith.addi %add3A_47, %add3A_148 : i32
      %sub3A_150 = arith.constant 30775 : i32
      %sub3A_151 = arith.subi %sub3A_150, %add3A_149 : i32
      %add3A_152 = arith.constant 7 : i32
      %add3A_153 = arith.addi %sub3A_151, %add3A_152 : i32
      %multiple_of3A_154 = tpu.assume_multiple %add3A_153, 8 : i32
      %mul3A_155 = arith.constant 2048 : i32
      %mul3A_156 = arith.muli %select_n3A, %mul3A_155 : i32
      %add3A_157 = arith.addi %mul3A_156, %add3A_149 : i32
      %mul3A_158 = arith.constant 2048 : i32
      %mul3A_159 = arith.muli %add3A_157, %mul3A_158 : i32
      %multiple_of3A_160 = tpu.assume_multiple %mul3A_159, 8 : i32
      %dma_start3A_161 = tpu.memref_slice %arg5[%multiple_of3A_154] : memref<32832xf32, #tpu.memory_space<vmem>> -> memref<2048xf32, #tpu.memory_space<vmem>>
      %dma_start3A_162 = tpu.memref_slice %arg3[%multiple_of3A_160] : memref<67108864xf32, #tpu.memory_space<hbm>> -> memref<2048xf32, #tpu.memory_space<hbm>>
      %dma_start3A_163 = tpu.memref_slice %arg3[%multiple_of3A_160] : memref<67108864xf32, #tpu.memory_space<hbm>> -> memref<2048xf32, #tpu.memory_space<hbm>>
      %dma_start3A_164 = tpu.memref_slice %arg5[%multiple_of3A_154] : memref<32832xf32, #tpu.memory_space<vmem>> -> memref<2048xf32, #tpu.memory_space<vmem>>
      tpu.enqueue_dma source(%dma_start3A_164 : memref<2048xf32, #tpu.memory_space<vmem>>) target(%dma_start3A_163 : memref<2048xf32, #tpu.memory_space<hbm>>) target_semaphore(%arg6 : memref<!tpu.dma_semaphore, #tpu.memory_space<semaphore_mem>>)
      %add3A_165 = arith.constant 7 : i32
      %add3A_166 = arith.addi %add3A_47, %add3A_165 : i32
      %sub3A_167 = arith.constant 2047 : i32
      %sub3A_168 = arith.subi %sub3A_167, %add3A_166 : i32
      %add3A_169 = arith.constant 0 : i32
      %add3A_170 = arith.addi %sub3A_168, %add3A_169 : i32
      %multiple_of3A_171 = tpu.assume_multiple %add3A_170, 8 : i32
      %mul3A_172 = arith.constant 2048 : i32
      %mul3A_173 = arith.muli %select_n3A, %mul3A_172 : i32
      %add3A_174 = arith.addi %mul3A_173, %add3A_166 : i32
      %mul3A_175 = arith.constant 2048 : i32
      %mul3A_176 = arith.muli %add3A_174, %mul3A_175 : i32
      %multiple_of3A_177 = tpu.assume_multiple %mul3A_176, 8 : i32
      %dma_start3A_178 = tpu.memref_slice %arg5[%multiple_of3A_171] : memref<32832xf32, #tpu.memory_space<vmem>> -> memref<2048xf32, #tpu.memory_space<vmem>>
      %dma_start3A_179 = tpu.memref_slice %arg3[%multiple_of3A_177] : memref<67108864xf32, #tpu.memory_space<hbm>> -> memref<2048xf32, #tpu.memory_space<hbm>>
      %dma_start3A_180 = tpu.memref_slice %arg3[%multiple_of3A_177] : memref<67108864xf32, #tpu.memory_space<hbm>> -> memref<2048xf32, #tpu.memory_space<hbm>>
      %dma_start3A_181 = tpu.memref_slice %arg5[%multiple_of3A_171] : memref<32832xf32, #tpu.memory_space<vmem>> -> memref<2048xf32, #tpu.memory_space<vmem>>
      tpu.enqueue_dma source(%dma_start3A_181 : memref<2048xf32, #tpu.memory_space<vmem>>) target(%dma_start3A_180 : memref<2048xf32, #tpu.memory_space<hbm>>) target_semaphore(%arg6 : memref<!tpu.dma_semaphore, #tpu.memory_space<semaphore_mem>>)
      %add3A_182 = arith.constant 8 : i32
      %add3A_183 = arith.addi %add3A_47, %add3A_182 : i32
      %sub3A_184 = arith.constant 6151 : i32
      %sub3A_185 = arith.subi %sub3A_184, %add3A_183 : i32
      %add3A_186 = arith.constant 1 : i32
      %add3A_187 = arith.addi %sub3A_185, %add3A_186 : i32
      %multiple_of3A_188 = tpu.assume_multiple %add3A_187, 8 : i32
      %mul3A_189 = arith.constant 2048 : i32
      %mul3A_190 = arith.muli %select_n3A, %mul3A_189 : i32
      %add3A_191 = arith.addi %mul3A_190, %add3A_183 : i32
      %mul3A_192 = arith.constant 2048 : i32
      %mul3A_193 = arith.muli %add3A_191, %mul3A_192 : i32
      %multiple_of3A_194 = tpu.assume_multiple %mul3A_193, 8 : i32
      %dma_start3A_195 = tpu.memref_slice %arg5[%multiple_of3A_188] : memref<32832xf32, #tpu.memory_space<vmem>> -> memref<2048xf32, #tpu.memory_space<vmem>>
      %dma_start3A_196 = tpu.memref_slice %arg3[%multiple_of3A_194] : memref<67108864xf32, #tpu.memory_space<hbm>> -> memref<2048xf32, #tpu.memory_space<hbm>>
      %dma_start3A_197 = tpu.memref_slice %arg3[%multiple_of3A_194] : memref<67108864xf32, #tpu.memory_space<hbm>> -> memref<2048xf32, #tpu.memory_space<hbm>>
      %dma_start3A_198 = tpu.memref_slice %arg5[%multiple_of3A_188] : memref<32832xf32, #tpu.memory_space<vmem>> -> memref<2048xf32, #tpu.memory_space<vmem>>
      tpu.enqueue_dma source(%dma_start3A_198 : memref<2048xf32, #tpu.memory_space<vmem>>) target(%dma_start3A_197 : memref<2048xf32, #tpu.memory_space<hbm>>) target_semaphore(%arg6 : memref<!tpu.dma_semaphore, #tpu.memory_space<semaphore_mem>>)
      %add3A_199 = arith.constant 9 : i32
      %add3A_200 = arith.addi %add3A_47, %add3A_199 : i32
      %sub3A_201 = arith.constant 10255 : i32
      %sub3A_202 = arith.subi %sub3A_201, %add3A_200 : i32
      %add3A_203 = arith.constant 2 : i32
      %add3A_204 = arith.addi %sub3A_202, %add3A_203 : i32
      %multiple_of3A_205 = tpu.assume_multiple %add3A_204, 8 : i32
      %mul3A_206 = arith.constant 2048 : i32
      %mul3A_207 = arith.muli %select_n3A, %mul3A_206 : i32
      %add3A_208 = arith.addi %mul3A_207, %add3A_200 : i32
      %mul3A_209 = arith.constant 2048 : i32
      %mul3A_210 = arith.muli %add3A_208, %mul3A_209 : i32
      %multiple_of3A_211 = tpu.assume_multiple %mul3A_210, 8 : i32
      %dma_start3A_212 = tpu.memref_slice %arg5[%multiple_of3A_205] : memref<32832xf32, #tpu.memory_space<vmem>> -> memref<2048xf32, #tpu.memory_space<vmem>>
      %dma_start3A_213 = tpu.memref_slice %arg3[%multiple_of3A_211] : memref<67108864xf32, #tpu.memory_space<hbm>> -> memref<2048xf32, #tpu.memory_space<hbm>>
      %dma_start3A_214 = tpu.memref_slice %arg3[%multiple_of3A_211] : memref<67108864xf32, #tpu.memory_space<hbm>> -> memref<2048xf32, #tpu.memory_space<hbm>>
      %dma_start3A_215 = tpu.memref_slice %arg5[%multiple_of3A_205] : memref<32832xf32, #tpu.memory_space<vmem>> -> memref<2048xf32, #tpu.memory_space<vmem>>
      tpu.enqueue_dma source(%dma_start3A_215 : memref<2048xf32, #tpu.memory_space<vmem>>) target(%dma_start3A_214 : memref<2048xf32, #tpu.memory_space<hbm>>) target_semaphore(%arg6 : memref<!tpu.dma_semaphore, #tpu.memory_space<semaphore_mem>>)
      %add3A_216 = arith.constant 10 : i32
      %add3A_217 = arith.addi %add3A_47, %add3A_216 : i32
      %sub3A_218 = arith.constant 14359 : i32
      %sub3A_219 = arith.subi %sub3A_218, %add3A_217 : i32
      %add3A_220 = arith.constant 3 : i32
      %add3A_221 = arith.addi %sub3A_219, %add3A_220 : i32
      %multiple_of3A_222 = tpu.assume_multiple %add3A_221, 8 : i32
      %mul3A_223 = arith.constant 2048 : i32
      %mul3A_224 = arith.muli %select_n3A, %mul3A_223 : i32
      %add3A_225 = arith.addi %mul3A_224, %add3A_217 : i32
      %mul3A_226 = arith.constant 2048 : i32
      %mul3A_227 = arith.muli %add3A_225, %mul3A_226 : i32
      %multiple_of3A_228 = tpu.assume_multiple %mul3A_227, 8 : i32
      %dma_start3A_229 = tpu.memref_slice %arg5[%multiple_of3A_222] : memref<32832xf32, #tpu.memory_space<vmem>> -> memref<2048xf32, #tpu.memory_space<vmem>>
      %dma_start3A_230 = tpu.memref_slice %arg3[%multiple_of3A_228] : memref<67108864xf32, #tpu.memory_space<hbm>> -> memref<2048xf32, #tpu.memory_space<hbm>>
      %dma_start3A_231 = tpu.memref_slice %arg3[%multiple_of3A_228] : memref<67108864xf32, #tpu.memory_space<hbm>> -> memref<2048xf32, #tpu.memory_space<hbm>>
      %dma_start3A_232 = tpu.memref_slice %arg5[%multiple_of3A_222] : memref<32832xf32, #tpu.memory_space<vmem>> -> memref<2048xf32, #tpu.memory_space<vmem>>
      tpu.enqueue_dma source(%dma_start3A_232 : memref<2048xf32, #tpu.memory_space<vmem>>) target(%dma_start3A_231 : memref<2048xf32, #tpu.memory_space<hbm>>) target_semaphore(%arg6 : memref<!tpu.dma_semaphore, #tpu.memory_space<semaphore_mem>>)
      %add3A_233 = arith.constant 11 : i32
      %add3A_234 = arith.addi %add3A_47, %add3A_233 : i32
      %sub3A_235 = arith.constant 18463 : i32
      %sub3A_236 = arith.subi %sub3A_235, %add3A_234 : i32
      %add3A_237 = arith.constant 4 : i32
      %add3A_238 = arith.addi %sub3A_236, %add3A_237 : i32
      %multiple_of3A_239 = tpu.assume_multiple %add3A_238, 8 : i32
      %mul3A_240 = arith.constant 2048 : i32
      %mul3A_241 = arith.muli %select_n3A, %mul3A_240 : i32
      %add3A_242 = arith.addi %mul3A_241, %add3A_234 : i32
      %mul3A_243 = arith.constant 2048 : i32
      %mul3A_244 = arith.muli %add3A_242, %mul3A_243 : i32
      %multiple_of3A_245 = tpu.assume_multiple %mul3A_244, 8 : i32
      %dma_start3A_246 = tpu.memref_slice %arg5[%multiple_of3A_239] : memref<32832xf32, #tpu.memory_space<vmem>> -> memref<2048xf32, #tpu.memory_space<vmem>>
      %dma_start3A_247 = tpu.memref_slice %arg3[%multiple_of3A_245] : memref<67108864xf32, #tpu.memory_space<hbm>> -> memref<2048xf32, #tpu.memory_space<hbm>>
      %dma_start3A_248 = tpu.memref_slice %arg3[%multiple_of3A_245] : memref<67108864xf32, #tpu.memory_space<hbm>> -> memref<2048xf32, #tpu.memory_space<hbm>>
      %dma_start3A_249 = tpu.memref_slice %arg5[%multiple_of3A_239] : memref<32832xf32, #tpu.memory_space<vmem>> -> memref<2048xf32, #tpu.memory_space<vmem>>
      tpu.enqueue_dma source(%dma_start3A_249 : memref<2048xf32, #tpu.memory_space<vmem>>) target(%dma_start3A_248 : memref<2048xf32, #tpu.memory_space<hbm>>) target_semaphore(%arg6 : memref<!tpu.dma_semaphore, #tpu.memory_space<semaphore_mem>>)
      %add3A_250 = arith.constant 12 : i32
      %add3A_251 = arith.addi %add3A_47, %add3A_250 : i32
      %sub3A_252 = arith.constant 22567 : i32
      %sub3A_253 = arith.subi %sub3A_252, %add3A_251 : i32
      %add3A_254 = arith.constant 5 : i32
      %add3A_255 = arith.addi %sub3A_253, %add3A_254 : i32
      %multiple_of3A_256 = tpu.assume_multiple %add3A_255, 8 : i32
      %mul3A_257 = arith.constant 2048 : i32
      %mul3A_258 = arith.muli %select_n3A, %mul3A_257 : i32
      %add3A_259 = arith.addi %mul3A_258, %add3A_251 : i32
      %mul3A_260 = arith.constant 2048 : i32
      %mul3A_261 = arith.muli %add3A_259, %mul3A_260 : i32
      %multiple_of3A_262 = tpu.assume_multiple %mul3A_261, 8 : i32
      %dma_start3A_263 = tpu.memref_slice %arg5[%multiple_of3A_256] : memref<32832xf32, #tpu.memory_space<vmem>> -> memref<2048xf32, #tpu.memory_space<vmem>>
      %dma_start3A_264 = tpu.memref_slice %arg3[%multiple_of3A_262] : memref<67108864xf32, #tpu.memory_space<hbm>> -> memref<2048xf32, #tpu.memory_space<hbm>>
      %dma_start3A_265 = tpu.memref_slice %arg3[%multiple_of3A_262] : memref<67108864xf32, #tpu.memory_space<hbm>> -> memref<2048xf32, #tpu.memory_space<hbm>>
      %dma_start3A_266 = tpu.memref_slice %arg5[%multiple_of3A_256] : memref<32832xf32, #tpu.memory_space<vmem>> -> memref<2048xf32, #tpu.memory_space<vmem>>
      tpu.enqueue_dma source(%dma_start3A_266 : memref<2048xf32, #tpu.memory_space<vmem>>) target(%dma_start3A_265 : memref<2048xf32, #tpu.memory_space<hbm>>) target_semaphore(%arg6 : memref<!tpu.dma_semaphore, #tpu.memory_space<semaphore_mem>>)
      %add3A_267 = arith.constant 13 : i32
      %add3A_268 = arith.addi %add3A_47, %add3A_267 : i32
      %sub3A_269 = arith.constant 26671 : i32
      %sub3A_270 = arith.subi %sub3A_269, %add3A_268 : i32
      %add3A_271 = arith.constant 6 : i32
      %add3A_272 = arith.addi %sub3A_270, %add3A_271 : i32
      %multiple_of3A_273 = tpu.assume_multiple %add3A_272, 8 : i32
      %mul3A_274 = arith.constant 2048 : i32
      %mul3A_275 = arith.muli %select_n3A, %mul3A_274 : i32
      %add3A_276 = arith.addi %mul3A_275, %add3A_268 : i32
      %mul3A_277 = arith.constant 2048 : i32
      %mul3A_278 = arith.muli %add3A_276, %mul3A_277 : i32
      %multiple_of3A_279 = tpu.assume_multiple %mul3A_278, 8 : i32
      %dma_start3A_280 = tpu.memref_slice %arg5[%multiple_of3A_273] : memref<32832xf32, #tpu.memory_space<vmem>> -> memref<2048xf32, #tpu.memory_space<vmem>>
      %dma_start3A_281 = tpu.memref_slice %arg3[%multiple_of3A_279] : memref<67108864xf32, #tpu.memory_space<hbm>> -> memref<2048xf32, #tpu.memory_space<hbm>>
      %dma_start3A_282 = tpu.memref_slice %arg3[%multiple_of3A_279] : memref<67108864xf32, #tpu.memory_space<hbm>> -> memref<2048xf32, #tpu.memory_space<hbm>>
      %dma_start3A_283 = tpu.memref_slice %arg5[%multiple_of3A_273] : memref<32832xf32, #tpu.memory_space<vmem>> -> memref<2048xf32, #tpu.memory_space<vmem>>
      tpu.enqueue_dma source(%dma_start3A_283 : memref<2048xf32, #tpu.memory_space<vmem>>) target(%dma_start3A_282 : memref<2048xf32, #tpu.memory_space<hbm>>) target_semaphore(%arg6 : memref<!tpu.dma_semaphore, #tpu.memory_space<semaphore_mem>>)
      %add3A_284 = arith.constant 14 : i32
      %add3A_285 = arith.addi %add3A_47, %add3A_284 : i32
      %sub3A_286 = arith.constant 30775 : i32
      %sub3A_287 = arith.subi %sub3A_286, %add3A_285 : i32
      %add3A_288 = arith.constant 7 : i32
      %add3A_289 = arith.addi %sub3A_287, %add3A_288 : i32
      %multiple_of3A_290 = tpu.assume_multiple %add3A_289, 8 : i32
      %mul3A_291 = arith.constant 2048 : i32
      %mul3A_292 = arith.muli %select_n3A, %mul3A_291 : i32
      %add3A_293 = arith.addi %mul3A_292, %add3A_285 : i32
      %mul3A_294 = arith.constant 2048 : i32
      %mul3A_295 = arith.muli %add3A_293, %mul3A_294 : i32
      %multiple_of3A_296 = tpu.assume_multiple %mul3A_295, 8 : i32
      %dma_start3A_297 = tpu.memref_slice %arg5[%multiple_of3A_290] : memref<32832xf32, #tpu.memory_space<vmem>> -> memref<2048xf32, #tpu.memory_space<vmem>>
      %dma_start3A_298 = tpu.memref_slice %arg3[%multiple_of3A_296] : memref<67108864xf32, #tpu.memory_space<hbm>> -> memref<2048xf32, #tpu.memory_space<hbm>>
      %dma_start3A_299 = tpu.memref_slice %arg3[%multiple_of3A_296] : memref<67108864xf32, #tpu.memory_space<hbm>> -> memref<2048xf32, #tpu.memory_space<hbm>>
      %dma_start3A_300 = tpu.memref_slice %arg5[%multiple_of3A_290] : memref<32832xf32, #tpu.memory_space<vmem>> -> memref<2048xf32, #tpu.memory_space<vmem>>
      tpu.enqueue_dma source(%dma_start3A_300 : memref<2048xf32, #tpu.memory_space<vmem>>) target(%dma_start3A_299 : memref<2048xf32, #tpu.memory_space<hbm>>) target_semaphore(%arg6 : memref<!tpu.dma_semaphore, #tpu.memory_space<semaphore_mem>>)
      %add3A_301 = arith.constant 15 : i32
      %add3A_302 = arith.addi %add3A_47, %add3A_301 : i32
      %sub3A_303 = arith.constant 2047 : i32
      %sub3A_304 = arith.subi %sub3A_303, %add3A_302 : i32
      %add3A_305 = arith.constant 0 : i32
      %add3A_306 = arith.addi %sub3A_304, %add3A_305 : i32
      %multiple_of3A_307 = tpu.assume_multiple %add3A_306, 8 : i32
      %mul3A_308 = arith.constant 2048 : i32
      %mul3A_309 = arith.muli %select_n3A, %mul3A_308 : i32
      %add3A_310 = arith.addi %mul3A_309, %add3A_302 : i32
      %mul3A_311 = arith.constant 2048 : i32
      %mul3A_312 = arith.muli %add3A_310, %mul3A_311 : i32
      %multiple_of3A_313 = tpu.assume_multiple %mul3A_312, 8 : i32
      %dma_start3A_314 = tpu.memref_slice %arg5[%multiple_of3A_307] : memref<32832xf32, #tpu.memory_space<vmem>> -> memref<2048xf32, #tpu.memory_space<vmem>>
      %dma_start3A_315 = tpu.memref_slice %arg3[%multiple_of3A_313] : memref<67108864xf32, #tpu.memory_space<hbm>> -> memref<2048xf32, #tpu.memory_space<hbm>>
      %dma_start3A_316 = tpu.memref_slice %arg3[%multiple_of3A_313] : memref<67108864xf32, #tpu.memory_space<hbm>> -> memref<2048xf32, #tpu.memory_space<hbm>>
      %dma_start3A_317 = tpu.memref_slice %arg5[%multiple_of3A_307] : memref<32832xf32, #tpu.memory_space<vmem>> -> memref<2048xf32, #tpu.memory_space<vmem>>
      tpu.enqueue_dma source(%dma_start3A_317 : memref<2048xf32, #tpu.memory_space<vmem>>) target(%dma_start3A_316 : memref<2048xf32, #tpu.memory_space<hbm>>) target_semaphore(%arg6 : memref<!tpu.dma_semaphore, #tpu.memory_space<semaphore_mem>>)
      %dma_wait3A = tpu.memref_slice %arg5[%multiple_of3A] : memref<32832xf32, #tpu.memory_space<vmem>> -> memref<2048xf32, #tpu.memory_space<vmem>>
      %dma_wait3A_318 = tpu.memref_slice %arg3[%multiple_of3A_59] : memref<67108864xf32, #tpu.memory_space<hbm>> -> memref<2048xf32, #tpu.memory_space<hbm>>
      %dma_wait3A_319 = tpu.memref_slice %arg3[%multiple_of3A_59] : memref<67108864xf32, #tpu.memory_space<hbm>> -> memref<2048xf32, #tpu.memory_space<hbm>>
      %dma_wait3A_320 = tpu.memref_slice %arg5[%multiple_of3A] : memref<32832xf32, #tpu.memory_space<vmem>> -> memref<2048xf32, #tpu.memory_space<vmem>>
      tpu.wait_dma2 semaphore(%arg6 : memref<!tpu.dma_semaphore, #tpu.memory_space<semaphore_mem>>) src(%dma_wait3A_320 : memref<2048xf32, #tpu.memory_space<vmem>>) dst(%dma_wait3A_319 : memref<2048xf32, #tpu.memory_space<hbm>>)
      %dma_wait3A_321 = tpu.memref_slice %arg5[%multiple_of3A_69] : memref<32832xf32, #tpu.memory_space<vmem>> -> memref<2048xf32, #tpu.memory_space<vmem>>
      %dma_wait3A_322 = tpu.memref_slice %arg3[%multiple_of3A_75] : memref<67108864xf32, #tpu.memory_space<hbm>> -> memref<2048xf32, #tpu.memory_space<hbm>>
      %dma_wait3A_323 = tpu.memref_slice %arg3[%multiple_of3A_75] : memref<67108864xf32, #tpu.memory_space<hbm>> -> memref<2048xf32, #tpu.memory_space<hbm>>
      %dma_wait3A_324 = tpu.memref_slice %arg5[%multiple_of3A_69] : memref<32832xf32, #tpu.memory_space<vmem>> -> memref<2048xf32, #tpu.memory_space<vmem>>
      tpu.wait_dma2 semaphore(%arg6 : memref<!tpu.dma_semaphore, #tpu.memory_space<semaphore_mem>>) src(%dma_wait3A_324 : memref<2048xf32, #tpu.memory_space<vmem>>) dst(%dma_wait3A_323 : memref<2048xf32, #tpu.memory_space<hbm>>)
      %dma_wait3A_325 = tpu.memref_slice %arg5[%multiple_of3A_86] : memref<32832xf32, #tpu.memory_space<vmem>> -> memref<2048xf32, #tpu.memory_space<vmem>>
      %dma_wait3A_326 = tpu.memref_slice %arg3[%multiple_of3A_92] : memref<67108864xf32, #tpu.memory_space<hbm>> -> memref<2048xf32, #tpu.memory_space<hbm>>
      %dma_wait3A_327 = tpu.memref_slice %arg3[%multiple_of3A_92] : memref<67108864xf32, #tpu.memory_space<hbm>> -> memref<2048xf32, #tpu.memory_space<hbm>>
      %dma_wait3A_328 = tpu.memref_slice %arg5[%multiple_of3A_86] : memref<32832xf32, #tpu.memory_space<vmem>> -> memref<2048xf32, #tpu.memory_space<vmem>>
      tpu.wait_dma2 semaphore(%arg6 : memref<!tpu.dma_semaphore, #tpu.memory_space<semaphore_mem>>) src(%dma_wait3A_328 : memref<2048xf32, #tpu.memory_space<vmem>>) dst(%dma_wait3A_327 : memref<2048xf32, #tpu.memory_space<hbm>>)
      %dma_wait3A_329 = tpu.memref_slice %arg5[%multiple_of3A_103] : memref<32832xf32, #tpu.memory_space<vmem>> -> memref<2048xf32, #tpu.memory_space<vmem>>
      %dma_wait3A_330 = tpu.memref_slice %arg3[%multiple_of3A_109] : memref<67108864xf32, #tpu.memory_space<hbm>> -> memref<2048xf32, #tpu.memory_space<hbm>>
      %dma_wait3A_331 = tpu.memref_slice %arg3[%multiple_of3A_109] : memref<67108864xf32, #tpu.memory_space<hbm>> -> memref<2048xf32, #tpu.memory_space<hbm>>
      %dma_wait3A_332 = tpu.memref_slice %arg5[%multiple_of3A_103] : memref<32832xf32, #tpu.memory_space<vmem>> -> memref<2048xf32, #tpu.memory_space<vmem>>
      tpu.wait_dma2 semaphore(%arg6 : memref<!tpu.dma_semaphore, #tpu.memory_space<semaphore_mem>>) src(%dma_wait3A_332 : memref<2048xf32, #tpu.memory_space<vmem>>) dst(%dma_wait3A_331 : memref<2048xf32, #tpu.memory_space<hbm>>)
      %dma_wait3A_333 = tpu.memref_slice %arg5[%multiple_of3A_120] : memref<32832xf32, #tpu.memory_space<vmem>> -> memref<2048xf32, #tpu.memory_space<vmem>>
      %dma_wait3A_334 = tpu.memref_slice %arg3[%multiple_of3A_126] : memref<67108864xf32, #tpu.memory_space<hbm>> -> memref<2048xf32, #tpu.memory_space<hbm>>
      %dma_wait3A_335 = tpu.memref_slice %arg3[%multiple_of3A_126] : memref<67108864xf32, #tpu.memory_space<hbm>> -> memref<2048xf32, #tpu.memory_space<hbm>>
      %dma_wait3A_336 = tpu.memref_slice %arg5[%multiple_of3A_120] : memref<32832xf32, #tpu.memory_space<vmem>> -> memref<2048xf32, #tpu.memory_space<vmem>>
      tpu.wait_dma2 semaphore(%arg6 : memref<!tpu.dma_semaphore, #tpu.memory_space<semaphore_mem>>) src(%dma_wait3A_336 : memref<2048xf32, #tpu.memory_space<vmem>>) dst(%dma_wait3A_335 : memref<2048xf32, #tpu.memory_space<hbm>>)
      %dma_wait3A_337 = tpu.memref_slice %arg5[%multiple_of3A_137] : memref<32832xf32, #tpu.memory_space<vmem>> -> memref<2048xf32, #tpu.memory_space<vmem>>
      %dma_wait3A_338 = tpu.memref_slice %arg3[%multiple_of3A_143] : memref<67108864xf32, #tpu.memory_space<hbm>> -> memref<2048xf32, #tpu.memory_space<hbm>>
      %dma_wait3A_339 = tpu.memref_slice %arg3[%multiple_of3A_143] : memref<67108864xf32, #tpu.memory_space<hbm>> -> memref<2048xf32, #tpu.memory_space<hbm>>
      %dma_wait3A_340 = tpu.memref_slice %arg5[%multiple_of3A_137] : memref<32832xf32, #tpu.memory_space<vmem>> -> memref<2048xf32, #tpu.memory_space<vmem>>
      tpu.wait_dma2 semaphore(%arg6 : memref<!tpu.dma_semaphore, #tpu.memory_space<semaphore_mem>>) src(%dma_wait3A_340 : memref<2048xf32, #tpu.memory_space<vmem>>) dst(%dma_wait3A_339 : memref<2048xf32, #tpu.memory_space<hbm>>)
      %dma_wait3A_341 = tpu.memref_slice %arg5[%multiple_of3A_154] : memref<32832xf32, #tpu.memory_space<vmem>> -> memref<2048xf32, #tpu.memory_space<vmem>>
      %dma_wait3A_342 = tpu.memref_slice %arg3[%multiple_of3A_160] : memref<67108864xf32, #tpu.memory_space<hbm>> -> memref<2048xf32, #tpu.memory_space<hbm>>
      %dma_wait3A_343 = tpu.memref_slice %arg3[%multiple_of3A_160] : memref<67108864xf32, #tpu.memory_space<hbm>> -> memref<2048xf32, #tpu.memory_space<hbm>>
      %dma_wait3A_344 = tpu.memref_slice %arg5[%multiple_of3A_154] : memref<32832xf32, #tpu.memory_space<vmem>> -> memref<2048xf32, #tpu.memory_space<vmem>>
      tpu.wait_dma2 semaphore(%arg6 : memref<!tpu.dma_semaphore, #tpu.memory_space<semaphore_mem>>) src(%dma_wait3A_344 : memref<2048xf32, #tpu.memory_space<vmem>>) dst(%dma_wait3A_343 : memref<2048xf32, #tpu.memory_space<hbm>>)
      %dma_wait3A_345 = tpu.memref_slice %arg5[%multiple_of3A_171] : memref<32832xf32, #tpu.memory_space<vmem>> -> memref<2048xf32, #tpu.memory_space<vmem>>
      %dma_wait3A_346 = tpu.memref_slice %arg3[%multiple_of3A_177] : memref<67108864xf32, #tpu.memory_space<hbm>> -> memref<2048xf32, #tpu.memory_space<hbm>>
      %dma_wait3A_347 = tpu.memref_slice %arg3[%multiple_of3A_177] : memref<67108864xf32, #tpu.memory_space<hbm>> -> memref<2048xf32, #tpu.memory_space<hbm>>
      %dma_wait3A_348 = tpu.memref_slice %arg5[%multiple_of3A_171] : memref<32832xf32, #tpu.memory_space<vmem>> -> memref<2048xf32, #tpu.memory_space<vmem>>
      tpu.wait_dma2 semaphore(%arg6 : memref<!tpu.dma_semaphore, #tpu.memory_space<semaphore_mem>>) src(%dma_wait3A_348 : memref<2048xf32, #tpu.memory_space<vmem>>) dst(%dma_wait3A_347 : memref<2048xf32, #tpu.memory_space<hbm>>)
      %dma_wait3A_349 = tpu.memref_slice %arg5[%multiple_of3A_188] : memref<32832xf32, #tpu.memory_space<vmem>> -> memref<2048xf32, #tpu.memory_space<vmem>>
      %dma_wait3A_350 = tpu.memref_slice %arg3[%multiple_of3A_194] : memref<67108864xf32, #tpu.memory_space<hbm>> -> memref<2048xf32, #tpu.memory_space<hbm>>
      %dma_wait3A_351 = tpu.memref_slice %arg3[%multiple_of3A_194] : memref<67108864xf32, #tpu.memory_space<hbm>> -> memref<2048xf32, #tpu.memory_space<hbm>>
      %dma_wait3A_352 = tpu.memref_slice %arg5[%multiple_of3A_188] : memref<32832xf32, #tpu.memory_space<vmem>> -> memref<2048xf32, #tpu.memory_space<vmem>>
      tpu.wait_dma2 semaphore(%arg6 : memref<!tpu.dma_semaphore, #tpu.memory_space<semaphore_mem>>) src(%dma_wait3A_352 : memref<2048xf32, #tpu.memory_space<vmem>>) dst(%dma_wait3A_351 : memref<2048xf32, #tpu.memory_space<hbm>>)
      %dma_wait3A_353 = tpu.memref_slice %arg5[%multiple_of3A_205] : memref<32832xf32, #tpu.memory_space<vmem>> -> memref<2048xf32, #tpu.memory_space<vmem>>
      %dma_wait3A_354 = tpu.memref_slice %arg3[%multiple_of3A_211] : memref<67108864xf32, #tpu.memory_space<hbm>> -> memref<2048xf32, #tpu.memory_space<hbm>>
      %dma_wait3A_355 = tpu.memref_slice %arg3[%multiple_of3A_211] : memref<67108864xf32, #tpu.memory_space<hbm>> -> memref<2048xf32, #tpu.memory_space<hbm>>
      %dma_wait3A_356 = tpu.memref_slice %arg5[%multiple_of3A_205] : memref<32832xf32, #tpu.memory_space<vmem>> -> memref<2048xf32, #tpu.memory_space<vmem>>
      tpu.wait_dma2 semaphore(%arg6 : memref<!tpu.dma_semaphore, #tpu.memory_space<semaphore_mem>>) src(%dma_wait3A_356 : memref<2048xf32, #tpu.memory_space<vmem>>) dst(%dma_wait3A_355 : memref<2048xf32, #tpu.memory_space<hbm>>)
      %dma_wait3A_357 = tpu.memref_slice %arg5[%multiple_of3A_222] : memref<32832xf32, #tpu.memory_space<vmem>> -> memref<2048xf32, #tpu.memory_space<vmem>>
      %dma_wait3A_358 = tpu.memref_slice %arg3[%multiple_of3A_228] : memref<67108864xf32, #tpu.memory_space<hbm>> -> memref<2048xf32, #tpu.memory_space<hbm>>
      %dma_wait3A_359 = tpu.memref_slice %arg3[%multiple_of3A_228] : memref<67108864xf32, #tpu.memory_space<hbm>> -> memref<2048xf32, #tpu.memory_space<hbm>>
      %dma_wait3A_360 = tpu.memref_slice %arg5[%multiple_of3A_222] : memref<32832xf32, #tpu.memory_space<vmem>> -> memref<2048xf32, #tpu.memory_space<vmem>>
      tpu.wait_dma2 semaphore(%arg6 : memref<!tpu.dma_semaphore, #tpu.memory_space<semaphore_mem>>) src(%dma_wait3A_360 : memref<2048xf32, #tpu.memory_space<vmem>>) dst(%dma_wait3A_359 : memref<2048xf32, #tpu.memory_space<hbm>>)
      %dma_wait3A_361 = tpu.memref_slice %arg5[%multiple_of3A_239] : memref<32832xf32, #tpu.memory_space<vmem>> -> memref<2048xf32, #tpu.memory_space<vmem>>
      %dma_wait3A_362 = tpu.memref_slice %arg3[%multiple_of3A_245] : memref<67108864xf32, #tpu.memory_space<hbm>> -> memref<2048xf32, #tpu.memory_space<hbm>>
      %dma_wait3A_363 = tpu.memref_slice %arg3[%multiple_of3A_245] : memref<67108864xf32, #tpu.memory_space<hbm>> -> memref<2048xf32, #tpu.memory_space<hbm>>
      %dma_wait3A_364 = tpu.memref_slice %arg5[%multiple_of3A_239] : memref<32832xf32, #tpu.memory_space<vmem>> -> memref<2048xf32, #tpu.memory_space<vmem>>
      tpu.wait_dma2 semaphore(%arg6 : memref<!tpu.dma_semaphore, #tpu.memory_space<semaphore_mem>>) src(%dma_wait3A_364 : memref<2048xf32, #tpu.memory_space<vmem>>) dst(%dma_wait3A_363 : memref<2048xf32, #tpu.memory_space<hbm>>)
      %dma_wait3A_365 = tpu.memref_slice %arg5[%multiple_of3A_256] : memref<32832xf32, #tpu.memory_space<vmem>> -> memref<2048xf32, #tpu.memory_space<vmem>>
      %dma_wait3A_366 = tpu.memref_slice %arg3[%multiple_of3A_262] : memref<67108864xf32, #tpu.memory_space<hbm>> -> memref<2048xf32, #tpu.memory_space<hbm>>
      %dma_wait3A_367 = tpu.memref_slice %arg3[%multiple_of3A_262] : memref<67108864xf32, #tpu.memory_space<hbm>> -> memref<2048xf32, #tpu.memory_space<hbm>>
      %dma_wait3A_368 = tpu.memref_slice %arg5[%multiple_of3A_256] : memref<32832xf32, #tpu.memory_space<vmem>> -> memref<2048xf32, #tpu.memory_space<vmem>>
      tpu.wait_dma2 semaphore(%arg6 : memref<!tpu.dma_semaphore, #tpu.memory_space<semaphore_mem>>) src(%dma_wait3A_368 : memref<2048xf32, #tpu.memory_space<vmem>>) dst(%dma_wait3A_367 : memref<2048xf32, #tpu.memory_space<hbm>>)
      %dma_wait3A_369 = tpu.memref_slice %arg5[%multiple_of3A_273] : memref<32832xf32, #tpu.memory_space<vmem>> -> memref<2048xf32, #tpu.memory_space<vmem>>
      %dma_wait3A_370 = tpu.memref_slice %arg3[%multiple_of3A_279] : memref<67108864xf32, #tpu.memory_space<hbm>> -> memref<2048xf32, #tpu.memory_space<hbm>>
      %dma_wait3A_371 = tpu.memref_slice %arg3[%multiple_of3A_279] : memref<67108864xf32, #tpu.memory_space<hbm>> -> memref<2048xf32, #tpu.memory_space<hbm>>
      %dma_wait3A_372 = tpu.memref_slice %arg5[%multiple_of3A_273] : memref<32832xf32, #tpu.memory_space<vmem>> -> memref<2048xf32, #tpu.memory_space<vmem>>
      tpu.wait_dma2 semaphore(%arg6 : memref<!tpu.dma_semaphore, #tpu.memory_space<semaphore_mem>>) src(%dma_wait3A_372 : memref<2048xf32, #tpu.memory_space<vmem>>) dst(%dma_wait3A_371 : memref<2048xf32, #tpu.memory_space<hbm>>)
      %dma_wait3A_373 = tpu.memref_slice %arg5[%multiple_of3A_290] : memref<32832xf32, #tpu.memory_space<vmem>> -> memref<2048xf32, #tpu.memory_space<vmem>>
      %dma_wait3A_374 = tpu.memref_slice %arg3[%multiple_of3A_296] : memref<67108864xf32, #tpu.memory_space<hbm>> -> memref<2048xf32, #tpu.memory_space<hbm>>
      %dma_wait3A_375 = tpu.memref_slice %arg3[%multiple_of3A_296] : memref<67108864xf32, #tpu.memory_space<hbm>> -> memref<2048xf32, #tpu.memory_space<hbm>>
      %dma_wait3A_376 = tpu.memref_slice %arg5[%multiple_of3A_290] : memref<32832xf32, #tpu.memory_space<vmem>> -> memref<2048xf32, #tpu.memory_space<vmem>>
      tpu.wait_dma2 semaphore(%arg6 : memref<!tpu.dma_semaphore, #tpu.memory_space<semaphore_mem>>) src(%dma_wait3A_376 : memref<2048xf32, #tpu.memory_space<vmem>>) dst(%dma_wait3A_375 : memref<2048xf32, #tpu.memory_space<hbm>>)
      %dma_wait3A_377 = tpu.memref_slice %arg5[%multiple_of3A_307] : memref<32832xf32, #tpu.memory_space<vmem>> -> memref<2048xf32, #tpu.memory_space<vmem>>
      %dma_wait3A_378 = tpu.memref_slice %arg3[%multiple_of3A_313] : memref<67108864xf32, #tpu.memory_space<hbm>> -> memref<2048xf32, #tpu.memory_space<hbm>>
      %dma_wait3A_379 = tpu.memref_slice %arg3[%multiple_of3A_313] : memref<67108864xf32, #tpu.memory_space<hbm>> -> memref<2048xf32, #tpu.memory_space<hbm>>
      %dma_wait3A_380 = tpu.memref_slice %arg5[%multiple_of3A_307] : memref<32832xf32, #tpu.memory_space<vmem>> -> memref<2048xf32, #tpu.memory_space<vmem>>
      tpu.wait_dma2 semaphore(%arg6 : memref<!tpu.dma_semaphore, #tpu.memory_space<semaphore_mem>>) src(%dma_wait3A_380 : memref<2048xf32, #tpu.memory_space<vmem>>) dst(%dma_wait3A_379 : memref<2048xf32, #tpu.memory_space<hbm>>)
    }
    %scan3A_43 = arith.constant 64 : i32
    return
  }
}

</mosaic_0001>

<sc_bundles>
// kernel: kernel.3.cloned.1.call-start
scs
__scs_entry_jumppad:
0x0: {  	(pc) =	sbr.rel $0x88, $3  }
0x1: {  	(tag) =	ssettag $0x0;
	lr =	simm.s32 $0x1  }
0x2: {  	[smem:$0x3FA0] =	sst lr;
	_ =	strace $0xD0000000  }
0x3: {  	_ = 	snop  }
0x4: {  	_ = 	snop  }
0x5: {  	_ = 	snop  }
0x6: {  	_ = 	snop  }
0x7: {  	_ = 	snop  }
__scs_overlays_trampoline_lowered:
0x8: {  	[smem:$0x3FAF] =	sst s0  }
0x9: {  	[smem:$0x3FB0] =	sst s1  }
0xa: {  	[smem:$0x3FB1] =	sst s2  }
0xb: {  	[smem:$0x3FB2] =	sst s3  }
0xc: {  	[smem:$0x3FB3] =	sst s4  }
0xd: {  	[smem:$0x3FB4] =	sst s5  }
0xe: {  	[smem:$0x3FB5] =	sst s6  }
0xf: {  	[smem:$0x3FB6] =	sst s7  }
0x10: {  	[smem:$0x3FB7] =	sst s8  }
0x11: {  	[smem:$0x3FB8] =	sst s9;
	s0 =	simm.s32 @!p0 $0x0  }
0x12: {  	s1 =	sld [smem:$0x3F9E];
	s0 =	simm.s32 @p0 $0x1  }
0x13: {  	[smem:$0x3FB9] =	sst s0;
	s0 =	simm.s32 @!p1 $0x0  }
0x14: {  	s2 =	sld [smem:$0x3F9D];
	s0 =	simm.s32 @p1 $0x1  }
0x15: {  	[smem:$0x3FBA] =	sst s0;
	s0 =	simm.s32 @!p2 $0x0  }
0x16: {  	s3 =	sld [smem:$0x3FDB];
	s0 =	simm.s32 @p2 $0x1  }
0x17: {  	s4 =	simm.s32 $0x1BF5;
	[smem:$0x3FBC] =	sst s0  }
0x18: {  	s0 =	sld [smem:$0x3F9F];
	_ =	swait.ge [sflag:s4], $0x0  }
0x19: {  	s7 =	sld [smem:$0x3FA0]  }
0x1a: {  	s8 =	sadd.s32 $0xFFFFE003, lr  }
0x1b: {  	s9 =	sadd.s32 $0xFFFFFEF7, lr;
	s5 =	simm.s32 $0xFFFFFFFF;
	p2 =	slt.u32 s8, $0xFFFFF086  }
0x1c: {  	p1 =	slt.u32 s9, $0xF7A;
	s5 =	simm.s32 @!p2 $0x0  }
0x1d: {  	s5 =	simm.s32 @p1 $0x1;
	p0 =	seq.s32 s7, s2  }
0x1e: {  	s7 =	smul.u32 @!p0 $0xF7A, s2;
	p2 =	seq.s32 @!p0 s5, $0x0  }
0x1f: {  	s9 =	smul.u32 $0xF7A, s1;
	s8 =	simm.s32 @!p0 $0x1BF5;
	p2 =	por !p2, p0  }
0x20: {  	[sflag:s8] =	ssyncset.s32 @!p0 $0xFFFFF086;
	s6 =	sadd.s32 @!p0 s3, s7;
	s7 =	simm.s32 @!p0 $0x108  }
0x21: {  	s3 =	sadd.s32 s3, s9;
	s6 =	sadd.s32 @!p0 $0x88, s6;
	s7 =	simm.s32 @p2 $0x1082  }
0x22: {  	[simem:s7], [sflag:s8] =	dma.local @!p0 [hbm:s6], $0xF7A  }
0x23: {  	s9 =	sor.u32 $0xD0000000, s2;
	s6 =	simm.s32 $0x108;
	_ =	swait.ge @!p0 [sflag:s8], $0x0  }
0x24: {  	s3 =	sadd.s32 $0x88, s3;
	s6 =	simm.s32 @!p1 $0x1082;
	[sflag:s4] =	ssyncset.s32 $0xFFFFF086  }
0x25: {  	[simem:s6], [sflag:s4] =	dma.local [hbm:s3], $0xF7A  }
0x26: {  	[smem:$0x3FA0] =	sst s1;
	(tag) =	ssettag s2;
	_ =	strace s9  }
0x27: {  	s1 =	sld [smem:$0x3FB0]  }
0x28: {  	s2 =	sld [smem:$0x3FB1]  }
0x29: {  	s4 =	sld [smem:$0x3FB3]  }
0x2a: {  	p0 =	seq.s32 s5, $0x0;
	s5 =	sld [smem:$0x3FB4]  }
0x2b: {  	s6 =	sld [smem:$0x3FB5]  }
0x2c: {  	s7 =	sld [smem:$0x3FB6]  }
0x2d: {  	s3 =	simm.s32 $0x108;
	s8 =	sld [smem:$0x3FB7]  }
0x2e: {  	s3 =	simm.s32 @!p0 $0x1082;
	s9 =	sld [smem:$0x3FB8]  }
0x2f: {  	lr =	sadd.s32 s0, s3;
	s0 =	sld [smem:$0x3FAF]  }
0x30: {  	s3 =	sld [smem:$0x3FB2]  }
0x31: {  	[smem:$0x3FBB] =	sst s10  }
0x32: {  	s10 =	sld [smem:$0x3FB9];
	_ =	sdelay $0x3  }
0x33: {  	p0 =	seq.s32 s10, $0x1;
	s10 =	sld [smem:$0x3FBB];
	_ =	sdelay $0x3  }
0x34: {  	[smem:$0x3FBB] =	sst s10  }
0x35: {  	s10 =	sld [smem:$0x3FBA];
	_ =	sdelay $0x3  }
0x36: {  	p1 =	seq.s32 s10, $0x1;
	s10 =	sld [smem:$0x3FBB];
	_ =	sdelay $0x3  }
0x37: {  	[smem:$0x3FBB] =	sst s10  }
0x38: {  	s10 =	sld [smem:$0x3FBC]  }
0x39: {  	_ = 	snop;
	(pc) =	sbr.ind lr, $3  }
0x3a: {  	_ = 	snop  }
0x3b: {  	_ = 	snop  }
0x3c: {  	p2 =	seq.s32 s10, $0x1;
	s10 =	sld [smem:$0x3FBB]  }
0x3d: {  	_ =	shalt  }
0x3e: {  	_ =	shalt  }
0x3f: {  	_ =	shalt  }
0x40: {  	_ =	shalt  }
0x41: {  	_ =	shalt  }
0x42: {  	_ =	shalt  }
0x43: {  	_ =	shalt  }
0x44: {  	_ =	shalt  }
0x45: {  	_ =	shalt  }
0x46: {  	_ =	shalt  }
0x47: {  	_ =	shalt  }
0x48: {  	_ =	shalt  }
0x49: {  	_ =	shalt  }
0x4a: {  	_ =	shalt  }
0x4b: {  	_ =	shalt  }
0x4c: {  	_ =	shalt  }
0x4d: {  	_ =	shalt  }
0x4e: {  	_ =	shalt  }
0x4f: {  	_ =	shalt  }
0x50: {  	_ =	shalt  }
0x51: {  	_ =	shalt  }
0x52: {  	_ =	shalt  }
0x53: {  	_ =	shalt  }
0x54: {  	_ =	shalt  }
0x55: {  	_ =	shalt  }
0x56: {  	_ =	shalt  }
0x57: {  	_ =	shalt  }
0x58: {  	_ =	shalt  }
0x59: {  	_ =	shalt  }
0x5a: {  	_ =	shalt  }
0x5b: {  	_ =	shalt  }
0x5c: {  	_ =	shalt  }
0x5d: {  	_ =	shalt  }
0x5e: {  	_ =	shalt  }
0x5f: {  	_ =	shalt  }
0x60: {  	_ =	shalt  }
0x61: {  	_ =	shalt  }
0x62: {  	_ =	shalt  }
0x63: {  	_ =	shalt  }
0x64: {  	_ =	shalt  }
0x65: {  	_ =	shalt  }
0x66: {  	_ =	shalt  }
0x67: {  	_ =	shalt  }
0x68: {  	_ =	shalt  }
0x69: {  	_ =	shalt  }
0x6a: {  	_ =	shalt  }
0x6b: {  	_ =	shalt  }
0x6c: {  	_ =	shalt  }
0x6d: {  	_ =	shalt  }
0x6e: {  	_ =	shalt  }
0x6f: {  	_ =	shalt  }
0x70: {  	_ =	shalt  }
0x71: {  	_ =	shalt  }
0x72: {  	_ =	shalt  }
0x73: {  	_ =	shalt  }
0x74: {  	_ =	shalt  }
0x75: {  	_ =	shalt  }
0x76: {  	_ =	shalt  }
0x77: {  	_ =	shalt  }
0x78: {  	_ =	shalt  }
0x79: {  	_ =	shalt  }
0x7a: {  	_ =	shalt  }
0x7b: {  	_ =	shalt  }
0x7c: {  	_ =	shalt  }
0x7d: {  	_ =	shalt  }
0x7e: {  	_ =	shalt  }
0x7f: {  	_ =	shalt  }
0x80: {  	_ =	shalt  }
0x81: {  	_ =	shalt  }
0x82: {  	_ =	shalt  }
0x83: {  	_ =	shalt  }
0x84: {  	_ =	shalt  }
0x85: {  	_ =	shalt  }
0x86: {  	_ =	shalt  }
0x87: {  	_ =	shalt  }
.Lfunc_end0:
.L_simem_size_0:
called_computation_lowered:
.L_overlay_start_0:
0x88: {  	s2 =	sld [smem:$0x3FD9]  }
0x89: {  	s3 =	sld [smem:$0x3FFE];
	_ =	sdelay $0x1  }
0x8a: {  	s1 =	srdreg.scid  }
0x8b: {  	s0 =	sand.u32 $0x1, s1  }
0x8c: {  	s17 =	sshll.u32 s0, $0xA;
	s2 =	sadd.s32 s3, s2  }
0x8d: {  	s2 =	sadd.s32 s2, s17  }
0x8e: {  	[smem:$0x3FC7] =	sst s2  }
0x8f: {  	_ = 	snop  }
0x90: {  	s2 =	sld [smem:$0x3FD0];
	(tm) =	ssettm $0x1  }
0x91: {  	s18 =	sld [smem:$0x3FFB];
	_ =	sdelay $0x3  }
0x92: {  	_ =	strace s18  }
0x93: {  	s3 =	sld [smem:$0x3FFC];
	_ =	sdelay $0x3  }
0x94: {  	_ =	strace s3  }
0x95: {  	s3 =	sld [smem:$0x3FFD];
	_ =	sdelay $0x3  }
0x96: {  	_ =	strace s3  }
0x97: {  	_ =	strace $0x8FFFFFFF  }
0x98: {  	s19 =	sld [smem:$0x3FDB];
	_ =	sdelay $0x1  }
0x99: {  	s4 =	simm.s32 $_scs_section_size  }
0x9a: {  	s5 =	simm.s32 $_size__tile_overlayer_lowered;
	s6 =	simm.s32 $_tile_overlayer_lowered  }
0x9b: {  	s22 =	simm.s32 $0x1BFF;
	s21 =	sshll.u32 s6, $0x1;
	s3 =	sadd.s32 s4, s19  }
0x9c: {  	s7 =	simm.s32 $0x0;
	s20 =	sshll.u32 s5, $0x1;
	s5 =	sadd.s32 s21, s3  }
0x9d: {  	[timem:s7], [sflag:s22] =	dma.local [hbm:s5], s20  }
0x9e: {  	_ =	swait.ge [sflag:s22], s20  }
0x9f: {  	s4 =	ssub.s32 $0x0, s20;
	[sflag:s22] =	ssyncset.done $0x0  }
0xa0: {  	[sflag:s22] =	ssyncadd.s32 s4;
	_ =	sdelay $0x1  }
0xa1: {  	s23 =	simm.s32 $0x1B8B  }
0xa2: {  	_ =	swait.ge [sflag:s23], $0x1  }
0xa3: {  	[sflag:s23] =	ssyncset.done $0x0  }
0xa4: {  	s25 =	simm.s32 $0x1B8E;
	s24 =	sld [smem:$0x3FFE];
	[sflag:s23] =	ssyncadd.s32 $0xFFFFFFFF  }
0xa5: {  	s26 =	simm.s32 $execute0_lowered;
	[smem:$0x3FD2] =	sst s25  }
0xa6: {  	s5 =	sshll.u32 s26, $0x1;
	_ =	strace $0x80000046;
	[dreg:$0x1] =	wrdreg $0xFFFFFFFF  }
0xa7: {  	s28 =	simm.s32 $_size_execute0_lowered;
	s3 =	sadd.s32 s3, s5;
	[dreg:$0x0] =	wrdreg $0x0  }
0xa8: {  	s5 =	sshll.u32 s28, $0x1;
	[dreg:$0x2] =	wrdreg s3  }
0xa9: {  	[dreg:$0x3] =	wrdreg s5  }
0xaa: {  	[dreg:$0x4] =	wrdreg $0xC0  }
0xab: {  	_ =	task [dreg:s7], $0x5FFFF  }
0xac: {  	[dreg:$0x1] =	wrdreg $0xFFFFFFFF  }
0xad: {  	[dreg:$0x0] =	wrdreg $0x60  }
0xae: {  	[dreg:$0x2] =	wrdreg s2  }
0xaf: {  	[dreg:$0x3] =	wrdreg s24  }
0xb0: {  	[dreg:$0x4] =	wrdreg $0x9  }
0xb1: {  	_ =	task.clear_ibuf [dreg:s7], $0x5FFFF;
	_ =	strace $0x90000046  }
0xb2: {  	s29 =	simm.s32 $0x9;
	_ =	strace $0x80000048  }
0xb3: {  	_ =	swait.ge [sflag:s29], $0x1  }
0xb4: {  	[sflag:s29] =	ssyncadd.s32 $0xFFFFFFFF  }
0xb5: {  	_ =	strace $0x90000048  }
0xb6: {  	_ =	sfence  }
0xb7: {  	s30 =	sld [smem:$0x0];
	_ =	sdelay $0x2  }
0xb8: {  	s31 =	sshll.u32 s1, $0xD;
	s1 =	sshrl.u32 s1, $0x2  }
0xb9: {  	s3 =	sand.u32 $0x4000, s31;
	s1 =	sadd.s32 s1, s30  }
0xba: {  	s0 =	sor.u32 s3, s0;
	s1 =	sshll.u32 s1, $0x11  }
0xbb: {  	s0 =	sor.u32 s1, s0  }
0xbc: {  	s0 =	sadd.s32 $0x8F2B, s0  }
0xbd: {  	[sflag:s0] =	ssyncadd.remote.s32 $0x1  }
0xbe: {  	_ =	sfence.sel $0xFFFF  }
0xbf: {  	[dreg:$0x0] =	wrdreg $0xFFFFFFFF;
	(pc) =	sbr.abs _section_cstart, $3  }
0xc0: {  	[dreg:$0x1] =	wrdreg $0xFFFFFFFF  }
0xc1: {  	_ =	task.clear_ibuf [dreg:s7], $0x2FFFF;
	_ =	strace $0x9FFFFFFF  }
0xc2: {  	(tm) =	ssettm $0x7FFFFFFF  }
0xc3: {  	_ =	shalt  }
tec
execute0_lowered:
.L_overlay_start_1:
0x0: {  	(tag) =	ssettag $0x1  }
0x1: {  	s1 =	srdreg.scid  }
0x2: {  	s0 =	stileid.u32;
	s5 =	sand.u32 $0x1, s1  }
0x3: {  	s1 =	sor.u32 s5, s0  }
0x4: {  	s2 =	rddreg [dreg:$0x0];
	p1 =	seq.s32 s5, $0x1;
	p0 =	seq.s32 s1, $0x0  }
0x5: {  	s4 =	rddreg [dreg:$0x1];
	s3 =	simm.s32 $0x0;
	p0 =	por !p0, !p1  }
0x6: {  	s6 =	simm.s32 $0x1;
	s10 =	simm.s32 $0x0;
	p0 =	por !p0, !p0  }
0x7: {  	[smem:$0x7FF] =	sst s3;
	s4 =	sadd.s32 $0x400, s4;
	s6 =	simm.s32 @!p0 $0x0  }
0x8: {  	s7 =	ssub.s32 $0x2, s5;
	s31 =	sshll.u32 s5, $0xC;
	s6 =	ssub.s32 s0, s6  }
0x9: {  	s9 =	sshll.u32 s5, $0x12;
	s5 =	simm.s32 $0x1;
	s8 =	sshrl.u32 s7, $0x1;
	v0 =	vmov s6  }
0xa: {  	s1 =	rddreg [dreg:$0x2];
	s7 =	ssub.s32 s7, s8;
	s8 =	ssub.s32 $0x12060, s31;
	v1 =	vadd.s32 $0x800, v0;
	v0 =	vlaneseq.u32  }
0xb: {  	_ =	strace $0x80000047;
	s8 =	sshrl.u32 s8, $0x2;
	s6 =	sshll.u32 s6, $0x13;
	v1 =	vbroadcast v1, $0x0;
	v2 =	vadd.s32 $0xFFFFF801, v0;
	v3 =	vadd.s32 $0x1009, v0  }
0xc: {  	s9 =	sor.u32 s9, s6;
	s6 =	smax.u32 s7, $0x1;
	s7 =	sor.u32 $0x1080, s8;
	v4 =	vadd.s32 $0x2012, v0;
	v5 =	vadd.s32 $0x301B, v0;
	v6 =	vadd.s32 $0x4024, v0  }
0xd: {  	s8 =	simm.s32 $0x2;
	[dreg:$0x3] =	wrdreg s9;
	s9 =	simm.s32 $0x1080;
	v7 =	vadd.s32 $0x502D, v0;
	v8 =	vadd.s32 $0x6036, v0;
	v9 =	vadd.s32 $0x703F, v0  }
.LBB2_1:
0xe: {  	v10 =	vadd.s32 s3, v2  }
0xf: {  	vm0 =	vgt.s32 v10, $0xFFFFFF80  }
0x10: {  	v10 =	vnsel vm0, $0xFFFFFF80, v10  }
0x11: {  	vm0 =	vlt.s32 v10, $0x80  }
0x12: {  	v10 =	vnsel vm0, $0x80, v10  }
0x13: {  	v10 =	vshll.u32 v10, $0x4  }
0x14: {  	v10 =	vadd.s32 v1, v10  }
0x15: {  	[tilespmem:s3], [sflag:$0x2] =	stream.linear.gather [hbm4b:s2+s3], $0x1080, $0x38;
	[tilespmem:$0x9100] =	vst v63  }
0x16: {  	_ =	swait.ge [sflag:s8], $0x1080  }
0x17: {  	v11 =	vor.u32 s3, v0;
	[sflag:s8] =	ssyncset.done $0x0  }
0x18: {  	[sflag:s8] =	ssyncadd.s32 $0xFFFFEF80;
	vm0 =	vlt.u32 v11, $0xFFF  }
0x19: {  	v10 =	vld.idx.msk [tilespmem:v10+s3+$0x0], $0xffff  }
0x1a: {  	v12 =	vadd.s32 s3, v3;
	_ =	sdelay $0x1  }
0x1b: {  	v13 =	vadd.s32 s3, v4;
	s11 =	simm.s32 $0x10  }
0x1c: {  	v14 =	vadd.s32 s3, v5;
	v16 =	vadd.s32 s11, v2  }
0x1d: {  	v15 =	vadd.s32 s3, v6;
	vm1 =	vgt.s32 v16, $0xFFFFFF80;
	[tilespmem:v11+s9+$0x0] =	vst.idx.msk vm0, v10  }
0x1e: {  	v11 =	vadd.s32 s3, v7;
	[tilespmem:v12+s9+$0x0] =	vst.idx.msk vm0, v10;
	v12 =	vnsel vm1, $0xFFFFFF80, v16  }
0x1f: {  	v17 =	vadd.s32 s3, v8;
	vm1 =	vlt.s32 v12, $0x80  }
0x20: {  	[tilespmem:v13+s9+$0x0] =	vst.idx.msk vm0, v10;
	v12 =	vnsel vm1, $0x80, v12  }
0x21: {  	v13 =	vadd.s32 s3, v9;
	[tilespmem:v14+s9+$0x0] =	vst.idx.msk vm0, v10;
	v12 =	vshll.u32 v12, $0x4  }
0x22: {  	[tilespmem:v15+s9+$0x0] =	vst.idx.msk vm0, v10;
	v12 =	vadd.s32 v1, v12  }
0x23: {  	[tilespmem:v11+s9+$0x0] =	vst.idx.msk vm0, v10  }
0x24: {  	s12 =	simm.s32 $0x20;
	s13 =	simm.s32 $0x0;
	v11 =	vor.u32 s11, v0;
	[tilespmem:v17+s9+$0x0] =	vst.idx.msk vm0, v10  }
.LBB2_2:
0x25: {  	s14 =	simm.s32 $0x0  }
0x26: {  	v14 =	vor.u32 s12, v0;
	p0 =	sne.s32 s12, $0xFF0;
	[tilespmem:v13+s9+$0x0] =	vst.idx.msk vm0, v10;
	s15 =	smov.u32 s12;
	s12 =	sadd.s32 $0x10, s12  }
0x27: {  	vm0 =	vlt.u32 v11, $0xFFF;
	v10 =	vld.idx.msk [tilespmem:v12+s13+$0x0], $0xffff;
	s13 =	smov.u32 s14;
	_ =	sdelay $0x1  }
0x28: {  	v12 =	vadd.s32 s11, v3  }
0x29: {  	v15 =	vadd.s32 s11, v4;
	v13 =	vadd.s32 s15, v2  }
0x2a: {  	v16 =	vadd.s32 s11, v5;
	vm1 =	vgt.s32 v13, $0xFFFFFF80  }
0x2b: {  	v17 =	vadd.s32 s11, v6;
	v13 =	vnsel vm1, $0xFFFFFF80, v13  }
0x2c: {  	v18 =	vadd.s32 s11, v7;
	vm1 =	vlt.s32 v13, $0x80;
	[tilespmem:v11+s9+$0x0] =	vst.idx.msk vm0, v10;
	v11 =	vmov v14  }
0x2d: {  	v13 =	vnsel vm1, $0x80, v13;
	v14 =	vadd.s32 s11, v8;
	[tilespmem:v12+s9+$0x0] =	vst.idx.msk vm0, v10  }
.Ltmp0:
0x2e: {  	v12 =	vshll.u32 v13, $0x4;
	v13 =	vadd.s32 s11, v9;
	s11 =	smov.u32 s15;
	[tilespmem:v15+s9+$0x0] =	vst.idx.msk vm0, v10;
	(pc) =	sbr.rel @p0 .LBB2_2-.Ltmp0, $4  }
0x2f: {  	v12 =	vadd.s32 v1, v12;
	[tilespmem:v16+s9+$0x0] =	vst.idx.msk vm0, v10  }
0x30: {  	[tilespmem:v17+s9+$0x0] =	vst.idx.msk vm0, v10  }
0x31: {  	[tilespmem:v18+s9+$0x0] =	vst.idx.msk vm0, v10  }
0x32: {  	[tilespmem:v14+s9+$0x0] =	vst.idx.msk vm0, v10  }
0x33: {  	_ =	sdelay $0x4  }
0x34: {  	[tilespmem:v13+s9+$0x0] =	vst.idx.msk vm0, v10;
	vm15 =	vlt.u32 v11, $0xFFF  }
0x35: {  	v10 =	vld.idx.msk [tilespmem:v12+s13+$0x0], $0xffff  }
0x36: {  	v60 =	vadd.s32 s11, v3  }
0x37: {  	v61 =	vadd.s32 s11, v4  }
0x38: {  	v14 =	vadd.s32 s11, v5  }
0x39: {  	v15 =	vadd.s32 s11, v6  }
0x3a: {  	[tilespmem:v11+s9+$0x0] =	vst.idx.msk vm15, v10;
	v11 =	vadd.s32 s11, v7  }
0x3b: {  	v62 =	vadd.s32 s11, v8;
	s12 =	sadd.s32 $0x1008, s7;
	s14 =	sadd.s32 $0xFFFFDFF0, s7;
	[tilespmem:v60+s9+$0x0] =	vst.idx.msk vm15, v10  }
0x3c: {  	v63 =	vadd.s32 s11, v9;
	s15 =	rddreg [dreg:$0x3];
	s16 =	sadd.s32 $0xFFFFBFE0, s7;
	s17 =	sadd.s32 $0x2018, s7;
	[tilespmem:v61+s9+$0x0] =	vst.idx.msk vm15, v10  }
0x3d: {  	s18 =	sadd.s32 $0x3020, s7;
	s19 =	sadd.s32 $0xFFFFF000, s7;
	s20 =	sadd.s32 $0x8, s7;
	[tilespmem:v14+s9+$0x0] =	vst.idx.msk vm15, v10  }
0x3e: {  	s21 =	sadd.s32 $0x1010, s7;
	s22 =	sadd.s32 $0xFFFFCFF0, s7;
	s15 =	sadd.s32 $0x0, s15;
	[tilespmem:v15+s9+$0x0] =	vst.idx.msk vm15, v10  }
0x3f: {  	s23 =	sadd.s32 $0xFFFFDFF8, s7;
	s24 =	sand.u32 $0x1FFFF000, s15;
	s25 =	sadd.s32 $0x100, s15;
	[tilespmem:v11+s9+$0x0] =	vst.idx.msk vm15, v10  }
0x40: {  	s26 =	sadd.s32 $0x200, s15;
	s30 =	sadd.s32 $0x300, s15;
	s31 =	sadd.s32 $0x400, s15;
	[tilespmem:v62+s9+$0x0] =	vst.idx.msk vm15, v10  }
0x41: {  	s24 =	sadd.s32 s4, s24;
	s25 =	sand.u32 $0x1FFFF100, s25;
	s26 =	sand.u32 $0x1FFFF200, s26;
	[tilespmem:v63+s9+$0x0] =	vst.idx.msk vm15, v10  }
0x42: {  	[hbm4b:s24+s3] =	stream.linear.scatter [tilespmem:s22], [sflag:$0x1], $0x800, $0x38;
	[tilespmem:$0x9100] =	vst v63  }
0x43: {  	s28 =	sand.u32 $0x1FFFF400, s31;
	s31 =	sadd.s32 $0x600, s15;
	s29 =	sadd.s32 s4, s25  }
0x44: {  	[hbm4b:s29+s3] =	stream.linear.scatter [tilespmem:s23], [sflag:$0x1], $0x800, $0x38;
	[tilespmem:$0x9100] =	vst v63  }
0x45: {  	s25 =	sadd.s32 s4, s28;
	s23 =	sadd.s32 s4, s26;
	s26 =	sand.u32 $0x1FFFF300, s30  }
0x46: {  	[hbm4b:s23+s3] =	stream.linear.scatter [tilespmem:s19], [sflag:$0x1], $0x800, $0x38;
	[tilespmem:$0x9100] =	vst v63  }
0x47: {  	s28 =	sand.u32 $0x1FFFF600, s31;
	s30 =	sadd.s32 $0x500, s15;
	s29 =	sadd.s32 s4, s26  }
0x48: {  	[hbm4b:s29+s3] =	stream.linear.scatter [tilespmem:s20], [sflag:$0x1], $0x800, $0x38;
	[tilespmem:$0x9100] =	vst v63  }
0x49: {  	s13 =	sadd.s32 $0xFFFFEFF8, s7;
	s31 =	sadd.s32 $0x800, s15;
	s26 =	sand.u32 $0x1FFFF500, s30  }
0x4a: {  	[hbm4b:s25+s3] =	stream.linear.scatter [tilespmem:s21], [sflag:$0x1], $0x800, $0x38;
	[tilespmem:$0x9100] =	vst v63  }
0x4b: {  	s11 =	sadd.s32 $0xFFFFCFE8, s7;
	s30 =	sadd.s32 $0x700, s15;
	s29 =	sadd.s32 s4, s26  }
0x4c: {  	[hbm4b:s29+s3] =	stream.linear.scatter [tilespmem:s17], [sflag:$0x1], $0x800, $0x38;
	[tilespmem:$0x9100] =	vst v63  }
0x4d: {  	s24 =	sadd.s32 $0xA00, s15;
	s19 =	sadd.s32 s4, s28;
	s20 =	sand.u32 $0x1FFFF700, s30  }
0x4e: {  	[hbm4b:s19+s3] =	stream.linear.scatter [tilespmem:s18], [sflag:$0x1], $0x800, $0x38;
	[tilespmem:$0x9100] =	vst v63  }
0x4f: {  	s23 =	sadd.s32 $0x900, s15;
	s22 =	sadd.s32 s4, s20;
	s21 =	sand.u32 $0x1FFFF800, s31  }
0x50: {  	[hbm4b:s22+s3] =	stream.linear.scatter [tilespmem:s16], [sflag:$0x1], $0x800, $0x38;
	[tilespmem:$0x9100] =	vst v63  }
0x51: {  	s28 =	sand.u32 $0x1FFFFA00, s24;
	s26 =	sand.u32 $0x1FFFF900, s23;
	s25 =	sadd.s32 s4, s21  }
0x52: {  	[hbm4b:s25+s3] =	stream.linear.scatter [tilespmem:s11], [sflag:$0x1], $0x800, $0x38;
	[tilespmem:$0x9100] =	vst v63  }
0x53: {  	s30 =	sadd.s32 $0xB00, s15;
	s31 =	sadd.s32 $0xC00, s15;
	s29 =	sadd.s32 s4, s26  }
0x54: {  	[hbm4b:s29+s3] =	stream.linear.scatter [tilespmem:s14], [sflag:$0x1], $0x800, $0x38;
	[tilespmem:$0x9100] =	vst v63  }
0x55: {  	s21 =	sadd.s32 $0xD00, s15;
	s18 =	sand.u32 $0x1FFFFB00, s30;
	s14 =	sadd.s32 s4, s28  }
0x56: {  	[hbm4b:s14+s3] =	stream.linear.scatter [tilespmem:s13], [sflag:$0x1], $0x800, $0x38;
	[tilespmem:$0x9100] =	vst v63  }
0x57: {  	s26 =	sadd.s32 $0xF00, s15;
	s19 =	sand.u32 $0x1FFFFC00, s31;
	s20 =	sadd.s32 s4, s18  }
0x58: {  	[hbm4b:s20+s3] =	stream.linear.scatter [tilespmem:s7], [sflag:$0x1], $0x800, $0x38;
	[tilespmem:$0x9100] =	vst v63  }
0x59: {  	s23 =	sadd.s32 s4, s19;
	s22 =	sadd.s32 $0xE00, s15;
	s13 =	sand.u32 $0x1FFFFD00, s21  }
0x5a: {  	[hbm4b:s23+s3] =	stream.linear.scatter [tilespmem:s12], [sflag:$0x1], $0x800, $0x38;
	[tilespmem:$0x9100] =	vst v63  }
0x5b: {  	s25 =	sadd.s32 $0x2010, s7;
	s14 =	sand.u32 $0x1FFFFE00, s22;
	s24 =	sadd.s32 s4, s13  }
0x5c: {  	[hbm4b:s24+s3] =	stream.linear.scatter [tilespmem:s25], [sflag:$0x1], $0x800, $0x38;
	[tilespmem:$0x9100] =	vst v63  }
0x5d: {  	s29 =	sadd.s32 $0x3018, s7;
	s28 =	sadd.s32 s4, s14;
	s13 =	sand.u32 $0x1FFFFF00, s26  }
0x5e: {  	[hbm4b:s28+s3] =	stream.linear.scatter [tilespmem:s29], [sflag:$0x1], $0x800, $0x38;
	[tilespmem:$0x9100] =	vst v63  }
0x5f: {  	s31 =	sadd.s32 $0xFFFFBFD8, s7;
	s30 =	sadd.s32 s4, s13  }
0x60: {  	[hbm4b:s30+s3] =	stream.linear.scatter [tilespmem:s31], [sflag:$0x1], $0x800, $0x38;
	[tilespmem:$0x9100] =	vst v63  }
0x61: {  	_ =	swait.ge [sflag:s5], $0x800  }
0x62: {  	[sflag:s5] =	ssyncset.done $0x0  }
0x63: {  	[sflag:s5] =	ssyncadd.s32 $0xFFFFF800  }
0x64: {  	_ =	swait.ge [sflag:s5], $0x800  }
0x65: {  	[sflag:s5] =	ssyncset.done $0x0  }
0x66: {  	[sflag:s5] =	ssyncadd.s32 $0xFFFFF800  }
0x67: {  	_ =	swait.ge [sflag:s5], $0x800  }
0x68: {  	[sflag:s5] =	ssyncset.done $0x0  }
0x69: {  	[sflag:s5] =	ssyncadd.s32 $0xFFFFF800  }
0x6a: {  	_ =	swait.ge [sflag:s5], $0x800  }
0x6b: {  	[sflag:s5] =	ssyncset.done $0x0  }
0x6c: {  	[sflag:s5] =	ssyncadd.s32 $0xFFFFF800  }
0x6d: {  	_ =	swait.ge [sflag:s5], $0x800  }
0x6e: {  	[sflag:s5] =	ssyncset.done $0x0  }
0x6f: {  	[sflag:s5] =	ssyncadd.s32 $0xFFFFF800  }
0x70: {  	_ =	swait.ge [sflag:s5], $0x800  }
0x71: {  	[sflag:s5] =	ssyncset.done $0x0  }
0x72: {  	[sflag:s5] =	ssyncadd.s32 $0xFFFFF800  }
0x73: {  	_ =	swait.ge [sflag:s5], $0x800  }
0x74: {  	[sflag:s5] =	ssyncset.done $0x0  }
0x75: {  	[sflag:s5] =	ssyncadd.s32 $0xFFFFF800  }
0x76: {  	_ =	swait.ge [sflag:s5], $0x800  }
0x77: {  	[sflag:s5] =	ssyncset.done $0x0  }
0x78: {  	[sflag:s5] =	ssyncadd.s32 $0xFFFFF800  }
0x79: {  	_ =	swait.ge [sflag:s5], $0x800  }
0x7a: {  	[sflag:s5] =	ssyncset.done $0x0  }
0x7b: {  	[sflag:s5] =	ssyncadd.s32 $0xFFFFF800  }
0x7c: {  	_ =	swait.ge [sflag:s5], $0x800  }
0x7d: {  	[sflag:s5] =	ssyncset.done $0x0  }
0x7e: {  	[sflag:s5] =	ssyncadd.s32 $0xFFFFF800  }
0x7f: {  	_ =	swait.ge [sflag:s5], $0x800  }
0x80: {  	[sflag:s5] =	ssyncset.done $0x0  }
0x81: {  	[sflag:s5] =	ssyncadd.s32 $0xFFFFF800  }
0x82: {  	_ =	swait.ge [sflag:s5], $0x800  }
0x83: {  	[sflag:s5] =	ssyncset.done $0x0  }
0x84: {  	[sflag:s5] =	ssyncadd.s32 $0xFFFFF800  }
0x85: {  	_ =	swait.ge [sflag:s5], $0x800  }
0x86: {  	[sflag:s5] =	ssyncset.done $0x0  }
0x87: {  	[sflag:s5] =	ssyncadd.s32 $0xFFFFF800  }
0x88: {  	_ =	swait.ge [sflag:s5], $0x800  }
0x89: {  	[sflag:s5] =	ssyncset.done $0x0  }
0x8a: {  	[sflag:s5] =	ssyncadd.s32 $0xFFFFF800  }
0x8b: {  	s11 =	sadd.s32 $0xFFFFFFF0, s7;
	_ =	swait.ge [sflag:s5], $0x800  }
0x8c: {  	s16 =	simm.s32 $0x1000;
	s17 =	sadd.s32 $0xFFFFCFE8, s11;
	[sflag:s5] =	ssyncset.done $0x0  }
0x8d: {  	s15 =	sadd.s32 $0xFFFFDFF0, s11;
	s18 =	sadd.s32 $0xFFFFBFE0, s11;
	[sflag:s5] =	ssyncadd.s32 $0xFFFFF800  }
0x8e: {  	s14 =	sadd.s32 $0xFFFFEFF8, s11;
	s13 =	sadd.s32 $0x1008, s11;
	_ =	swait.ge [sflag:s5], $0x800  }
0x8f: {  	s12 =	simm.s32 $0x2000;
	s19 =	rddreg [dreg:$0x3];
	[sflag:s5] =	ssyncset.done $0x0  }
.LBB2_4:
0x90: {  	s20 =	sadd.s32 $0x2018, s11;
	s21 =	sadd.s32 $0x3020, s11;
	[sflag:s5] =	ssyncadd.s32 $0xFFFFF800  }
0x91: {  	s22 =	sadd.s32 $0xFFFFF000, s11;
	s23 =	sadd.s32 $0x8, s11;
	s24 =	sadd.s32 $0x1010, s11  }
0x92: {  	s16 =	sadd.s32 s16, s19;
	s31 =	sadd.s32 $0xFFFFCFF0, s11;
	s25 =	sadd.s32 $0xFFFFDFF8, s11  }
0x93: {  	s26 =	sand.u32 $0x1FFFF000, s16;
	s28 =	sadd.s32 $0x100, s16;
	s29 =	sadd.s32 $0x200, s16  }
0x94: {  	s30 =	sadd.s32 $0x300, s16;
	s26 =	sadd.s32 s4, s26;
	s28 =	sand.u32 $0x1FFFF100, s28  }
0x95: {  	[hbm4b:s26+s3] =	stream.linear.scatter [tilespmem:s31], [sflag:$0x1], $0x800, $0x38;
	[tilespmem:$0x9100] =	vst v63  }
0x96: {  	s29 =	sand.u32 $0x1FFFF200, s29;
	s26 =	sadd.s32 s4, s28;
	s31 =	sadd.s32 $0x400, s16  }
0x97: {  	[hbm4b:s26+s3] =	stream.linear.scatter [tilespmem:s25], [sflag:$0x1], $0x800, $0x38;
	[tilespmem:$0x9100] =	vst v63  }
0x98: {  	s30 =	sand.u32 $0x1FFFF300, s30;
	s29 =	sadd.s32 s4, s29;
	s31 =	sand.u32 $0x1FFFF400, s31  }
0x99: {  	[hbm4b:s29+s3] =	stream.linear.scatter [tilespmem:s22], [sflag:$0x1], $0x800, $0x38;
	[tilespmem:$0x9100] =	vst v63  }
0x9a: {  	s28 =	sadd.s32 $0x500, s16;
	s25 =	sadd.s32 s4, s30;
	s30 =	sadd.s32 s4, s31  }
0x9b: {  	[hbm4b:s25+s3] =	stream.linear.scatter [tilespmem:s23], [sflag:$0x1], $0x800, $0x38;
	[tilespmem:$0x9100] =	vst v63  }
0x9c: {  	s26 =	sadd.s32 $0x700, s16;
	s29 =	sadd.s32 $0x600, s16;
	s22 =	sand.u32 $0x1FFFF500, s28  }
0x9d: {  	[hbm4b:s30+s3] =	stream.linear.scatter [tilespmem:s24], [sflag:$0x1], $0x800, $0x38;
	[tilespmem:$0x9100] =	vst v63  }
0x9e: {  	s28 =	sadd.s32 $0x800, s16;
	s31 =	sand.u32 $0x1FFFF600, s29;
	s25 =	sadd.s32 s4, s22  }
0x9f: {  	[hbm4b:s25+s3] =	stream.linear.scatter [tilespmem:s20], [sflag:$0x1], $0x800, $0x38;
	[tilespmem:$0x9100] =	vst v63  }
0xa0: {  	s29 =	sadd.s32 s4, s31;
	s31 =	sand.u32 $0x1FFFF800, s28;
	s30 =	sand.u32 $0x1FFFF700, s26  }
0xa1: {  	[hbm4b:s29+s3] =	stream.linear.scatter [tilespmem:s21], [sflag:$0x1], $0x800, $0x38;
	[tilespmem:$0x9100] =	vst v63  }
0xa2: {  	s23 =	sadd.s32 $0x900, s16;
	s22 =	sadd.s32 $0xE00, s16;
	s21 =	sadd.s32 s4, s30  }
0xa3: {  	[hbm4b:s21+s3] =	stream.linear.scatter [tilespmem:s18], [sflag:$0x1], $0x800, $0x38;
	[tilespmem:$0x9100] =	vst v63  }
0xa4: {  	s24 =	sadd.s32 $0xA00, s16;
	s26 =	sand.u32 $0x1FFFF900, s23;
	s25 =	sadd.s32 s4, s31  }
0xa5: {  	[hbm4b:s25+s3] =	stream.linear.scatter [tilespmem:s17], [sflag:$0x1], $0x800, $0x38;
	[tilespmem:$0x9100] =	vst v63  }
0xa6: {  	s28 =	sand.u32 $0x1FFFFA00, s24;
	s29 =	sadd.s32 s4, s26;
	s30 =	sadd.s32 $0xB00, s16  }
0xa7: {  	[hbm4b:s29+s3] =	stream.linear.scatter [tilespmem:s15], [sflag:$0x1], $0x800, $0x38;
	[tilespmem:$0x9100] =	vst v63  }
0xa8: {  	s31 =	sadd.s32 $0xC00, s16;
	s18 =	sand.u32 $0x1FFFFB00, s30;
	s17 =	sadd.s32 s4, s28  }
0xa9: {  	[hbm4b:s17+s3] =	stream.linear.scatter [tilespmem:s14], [sflag:$0x1], $0x800, $0x38;
	[tilespmem:$0x9100] =	vst v63  }
0xaa: {  	s19 =	sand.u32 $0x1FFFFC00, s31;
	s21 =	sadd.s32 $0xD00, s16;
	s20 =	sadd.s32 s4, s18  }
0xab: {  	[hbm4b:s20+s3] =	stream.linear.scatter [tilespmem:s11], [sflag:$0x1], $0x800, $0x38;
	[tilespmem:$0x9100] =	vst v63  }
0xac: {  	s23 =	sadd.s32 s4, s19;
	s26 =	sadd.s32 $0xF00, s16;
	s15 =	sand.u32 $0x1FFFFD00, s21  }
0xad: {  	[hbm4b:s23+s3] =	stream.linear.scatter [tilespmem:s13], [sflag:$0x1], $0x800, $0x38;
	[tilespmem:$0x9100] =	vst v63  }
0xae: {  	s25 =	sadd.s32 $0x2010, s11;
	s24 =	sadd.s32 s4, s15;
	s17 =	sand.u32 $0x1FFFFE00, s22  }
0xaf: {  	[hbm4b:s24+s3] =	stream.linear.scatter [tilespmem:s25], [sflag:$0x1], $0x800, $0x38;
	[tilespmem:$0x9100] =	vst v63  }
0xb0: {  	s29 =	sadd.s32 $0x3018, s11;
	s15 =	sand.u32 $0x1FFFFF00, s26;
	s28 =	sadd.s32 s4, s17  }
0xb1: {  	[hbm4b:s28+s3] =	stream.linear.scatter [tilespmem:s29], [sflag:$0x1], $0x800, $0x38;
	[tilespmem:$0x9100] =	vst v63  }
0xb2: {  	s31 =	sadd.s32 $0xFFFFBFD8, s11;
	s30 =	sadd.s32 s4, s15  }
0xb3: {  	[hbm4b:s30+s3] =	stream.linear.scatter [tilespmem:s31], [sflag:$0x1], $0x800, $0x38;
	[tilespmem:$0x9100] =	vst v63  }
0xb4: {  	_ =	swait.ge [sflag:s5], $0x800  }
0xb5: {  	[sflag:s5] =	ssyncset.done $0x0  }
0xb6: {  	[sflag:s5] =	ssyncadd.s32 $0xFFFFF800  }
0xb7: {  	_ =	swait.ge [sflag:s5], $0x800  }
0xb8: {  	[sflag:s5] =	ssyncset.done $0x0  }
0xb9: {  	[sflag:s5] =	ssyncadd.s32 $0xFFFFF800  }
0xba: {  	_ =	swait.ge [sflag:s5], $0x800  }
0xbb: {  	[sflag:s5] =	ssyncset.done $0x0  }
0xbc: {  	[sflag:s5] =	ssyncadd.s32 $0xFFFFF800  }
0xbd: {  	_ =	swait.ge [sflag:s5], $0x800  }
0xbe: {  	[sflag:s5] =	ssyncset.done $0x0  }
0xbf: {  	[sflag:s5] =	ssyncadd.s32 $0xFFFFF800  }
0xc0: {  	_ =	swait.ge [sflag:s5], $0x800  }
0xc1: {  	[sflag:s5] =	ssyncset.done $0x0  }
0xc2: {  	[sflag:s5] =	ssyncadd.s32 $0xFFFFF800  }
0xc3: {  	_ =	swait.ge [sflag:s5], $0x800  }
0xc4: {  	[sflag:s5] =	ssyncset.done $0x0  }
0xc5: {  	[sflag:s5] =	ssyncadd.s32 $0xFFFFF800  }
0xc6: {  	_ =	swait.ge [sflag:s5], $0x800  }
0xc7: {  	[sflag:s5] =	ssyncset.done $0x0  }
0xc8: {  	[sflag:s5] =	ssyncadd.s32 $0xFFFFF800  }
0xc9: {  	_ =	swait.ge [sflag:s5], $0x800  }
0xca: {  	[sflag:s5] =	ssyncset.done $0x0  }
0xcb: {  	[sflag:s5] =	ssyncadd.s32 $0xFFFFF800  }
0xcc: {  	_ =	swait.ge [sflag:s5], $0x800  }
0xcd: {  	[sflag:s5] =	ssyncset.done $0x0  }
0xce: {  	[sflag:s5] =	ssyncadd.s32 $0xFFFFF800  }
0xcf: {  	_ =	swait.ge [sflag:s5], $0x800  }
0xd0: {  	[sflag:s5] =	ssyncset.done $0x0  }
0xd1: {  	[sflag:s5] =	ssyncadd.s32 $0xFFFFF800  }
0xd2: {  	_ =	swait.ge [sflag:s5], $0x800  }
0xd3: {  	[sflag:s5] =	ssyncset.done $0x0  }
0xd4: {  	[sflag:s5] =	ssyncadd.s32 $0xFFFFF800  }
0xd5: {  	_ =	swait.ge [sflag:s5], $0x800  }
0xd6: {  	[sflag:s5] =	ssyncset.done $0x0  }
0xd7: {  	[sflag:s5] =	ssyncadd.s32 $0xFFFFF800  }
0xd8: {  	_ =	swait.ge [sflag:s5], $0x800  }
0xd9: {  	[sflag:s5] =	ssyncset.done $0x0  }
0xda: {  	[sflag:s5] =	ssyncadd.s32 $0xFFFFF800  }
0xdb: {  	_ =	swait.ge [sflag:s5], $0x800  }
0xdc: {  	[sflag:s5] =	ssyncset.done $0x0  }
0xdd: {  	p0 =	sne.s32 s12, $0x3F000;
	[sflag:s5] =	ssyncadd.s32 $0xFFFFF800  }
.Ltmp1:
0xde: {  	s16 =	smov.u32 s12;
	_ =	swait.ge [sflag:s5], $0x800;
	(pc) =	sbr.rel @p0 .LBB2_4-.Ltmp1, $4  }
0xdf: {  	s12 =	sadd.s32 $0x1000, s12;
	s11 =	sadd.s32 $0xFFFFFFF0, s11;
	[sflag:s5] =	ssyncset.done $0x0  }
0xe0: {  	s14 =	sadd.s32 $0xFFFFEFF8, s11;
	s17 =	sadd.s32 $0xFFFFCFE8, s11;
	[sflag:s5] =	ssyncadd.s32 $0xFFFFF800  }
0xe1: {  	s15 =	sadd.s32 $0xFFFFDFF0, s11;
	s18 =	sadd.s32 $0xFFFFBFE0, s11;
	_ =	swait.ge [sflag:s5], $0x800  }
0xe2: {  	s13 =	sadd.s32 $0x1008, s11;
	s19 =	rddreg [dreg:$0x3];
	[sflag:s5] =	ssyncset.done $0x0  }
0xe3: {  	s12 =	sadd.s32 $0x2018, s11;
	s20 =	sadd.s32 $0x3020, s11;
	[sflag:s5] =	ssyncadd.s32 $0xFFFFF800  }
0xe4: {  	s21 =	sadd.s32 $0xFFFFF000, s11;
	s22 =	sadd.s32 $0x8, s11;
	s23 =	sadd.s32 $0x1010, s11  }
0xe5: {  	s16 =	sadd.s32 s16, s19;
	s31 =	sadd.s32 $0xFFFFCFF0, s11;
	s24 =	sadd.s32 $0xFFFFDFF8, s11  }
0xe6: {  	s25 =	sand.u32 $0x1FFFF000, s16;
	s26 =	sadd.s32 $0x100, s16;
	s28 =	sadd.s32 $0x200, s16  }
0xe7: {  	s30 =	sadd.s32 $0x300, s16;
	s25 =	sadd.s32 s4, s25;
	s26 =	sand.u32 $0x1FFFF100, s26  }
0xe8: {  	[hbm4b:s25+s3] =	stream.linear.scatter [tilespmem:s31], [sflag:$0x1], $0x800, $0x38;
	[tilespmem:$0x9100] =	vst v63  }
0xe9: {  	s28 =	sand.u32 $0x1FFFF200, s28;
	s29 =	sadd.s32 s4, s26;
	s31 =	sadd.s32 $0x400, s16  }
0xea: {  	[hbm4b:s29+s3] =	stream.linear.scatter [tilespmem:s24], [sflag:$0x1], $0x800, $0x38;
	[tilespmem:$0x9100] =	vst v63  }
0xeb: {  	s25 =	sand.u32 $0x1FFFF300, s30;
	s30 =	sadd.s32 $0x500, s16;
	s24 =	sadd.s32 s4, s28  }
0xec: {  	[hbm4b:s24+s3] =	stream.linear.scatter [tilespmem:s21], [sflag:$0x1], $0x800, $0x38;
	[tilespmem:$0x9100] =	vst v63  }
0xed: {  	s26 =	sadd.s32 $0x700, s16;
	s28 =	sand.u32 $0x1FFFF400, s31;
	s29 =	sadd.s32 s4, s25  }
0xee: {  	[hbm4b:s29+s3] =	stream.linear.scatter [tilespmem:s22], [sflag:$0x1], $0x800, $0x38;
	[tilespmem:$0x9100] =	vst v63  }
0xef: {  	s31 =	sadd.s32 $0x600, s16;
	s21 =	sand.u32 $0x1FFFF500, s30;
	s22 =	sadd.s32 s4, s28  }
0xf0: {  	[hbm4b:s22+s3] =	stream.linear.scatter [tilespmem:s23], [sflag:$0x1], $0x800, $0x38;
	[tilespmem:$0x9100] =	vst v63  }
0xf1: {  	s24 =	sand.u32 $0x1FFFF600, s31;
	s30 =	sand.u32 $0x1FFFF700, s26;
	s25 =	sadd.s32 s4, s21  }
0xf2: {  	[hbm4b:s25+s3] =	stream.linear.scatter [tilespmem:s12], [sflag:$0x1], $0x800, $0x38;
	[tilespmem:$0x9100] =	vst v63  }
0xf3: {  	s28 =	sadd.s32 $0x800, s16;
	s29 =	sadd.s32 s4, s24;
	s24 =	sadd.s32 $0xA00, s16  }
0xf4: {  	[hbm4b:s29+s3] =	stream.linear.scatter [tilespmem:s20], [sflag:$0x1], $0x800, $0x38;
	[tilespmem:$0x9100] =	vst v63  }
0xf5: {  	s31 =	sand.u32 $0x1FFFF800, s28;
	s22 =	sadd.s32 s4, s30;
	s23 =	sadd.s32 $0x900, s16  }
0xf6: {  	[hbm4b:s22+s3] =	stream.linear.scatter [tilespmem:s18], [sflag:$0x1], $0x800, $0x38;
	[tilespmem:$0x9100] =	vst v63  }
0xf7: {  	s28 =	sand.u32 $0x1FFFFA00, s24;
	s26 =	sand.u32 $0x1FFFF900, s23;
	s25 =	sadd.s32 s4, s31  }
0xf8: {  	[hbm4b:s25+s3] =	stream.linear.scatter [tilespmem:s17], [sflag:$0x1], $0x800, $0x38;
	[tilespmem:$0x9100] =	vst v63  }
0xf9: {  	s30 =	sadd.s32 $0xB00, s16;
	s31 =	sadd.s32 $0xC00, s16;
	s29 =	sadd.s32 s4, s26  }
0xfa: {  	[hbm4b:s29+s3] =	stream.linear.scatter [tilespmem:s15], [sflag:$0x1], $0x800, $0x38;
	[tilespmem:$0x9100] =	vst v63  }
0xfb: {  	s19 =	sand.u32 $0x1FFFFC00, s31;
	s17 =	sand.u32 $0x1FFFFB00, s30;
	s15 =	sadd.s32 s4, s28  }
0xfc: {  	[hbm4b:s15+s3] =	stream.linear.scatter [tilespmem:s14], [sflag:$0x1], $0x800, $0x38;
	[tilespmem:$0x9100] =	vst v63  }
0xfd: {  	s21 =	sadd.s32 $0xD00, s16;
	s23 =	sadd.s32 s4, s19;
	s20 =	sadd.s32 s4, s17  }
0xfe: {  	[hbm4b:s20+s3] =	stream.linear.scatter [tilespmem:s11], [sflag:$0x1], $0x800, $0x38;
	[tilespmem:$0x9100] =	vst v63  }
0xff: {  	s26 =	sadd.s32 $0xF00, s16;
	s22 =	sadd.s32 $0xE00, s16;
	s14 =	sand.u32 $0x1FFFFD00, s21  }
0x100: {  	[hbm4b:s23+s3] =	stream.linear.scatter [tilespmem:s13], [sflag:$0x1], $0x800, $0x38;
	[tilespmem:$0x9100] =	vst v63  }
0x101: {  	s25 =	sadd.s32 $0x2010, s11;
	s15 =	sand.u32 $0x1FFFFE00, s22;
	s24 =	sadd.s32 s4, s14  }
0x102: {  	[hbm4b:s24+s3] =	stream.linear.scatter [tilespmem:s25], [sflag:$0x1], $0x800, $0x38;
	[tilespmem:$0x9100] =	vst v63  }
0x103: {  	s29 =	sadd.s32 $0x3018, s11;
	s28 =	sadd.s32 s4, s15;
	s14 =	sand.u32 $0x1FFFFF00, s26  }
0x104: {  	[hbm4b:s28+s3] =	stream.linear.scatter [tilespmem:s29], [sflag:$0x1], $0x800, $0x38;
	[tilespmem:$0x9100] =	vst v63  }
0x105: {  	s31 =	sadd.s32 $0xFFFFBFD8, s11;
	s30 =	sadd.s32 s4, s14  }
0x106: {  	[hbm4b:s30+s3] =	stream.linear.scatter [tilespmem:s31], [sflag:$0x1], $0x800, $0x38;
	[tilespmem:$0x9100] =	vst v63  }
0x107: {  	_ =	swait.ge [sflag:s5], $0x800  }
0x108: {  	[sflag:s5] =	ssyncset.done $0x0  }
0x109: {  	[sflag:s5] =	ssyncadd.s32 $0xFFFFF800  }
0x10a: {  	_ =	swait.ge [sflag:s5], $0x800  }
0x10b: {  	[sflag:s5] =	ssyncset.done $0x0  }
0x10c: {  	[sflag:s5] =	ssyncadd.s32 $0xFFFFF800  }
0x10d: {  	_ =	swait.ge [sflag:s5], $0x800  }
0x10e: {  	[sflag:s5] =	ssyncset.done $0x0  }
0x10f: {  	[sflag:s5] =	ssyncadd.s32 $0xFFFFF800  }
0x110: {  	_ =	swait.ge [sflag:s5], $0x800  }
0x111: {  	[sflag:s5] =	ssyncset.done $0x0  }
0x112: {  	[sflag:s5] =	ssyncadd.s32 $0xFFFFF800  }
0x113: {  	_ =	swait.ge [sflag:s5], $0x800  }
0x114: {  	[sflag:s5] =	ssyncset.done $0x0  }
0x115: {  	[sflag:s5] =	ssyncadd.s32 $0xFFFFF800  }
0x116: {  	_ =	swait.ge [sflag:s5], $0x800  }
0x117: {  	[sflag:s5] =	ssyncset.done $0x0  }
0x118: {  	[sflag:s5] =	ssyncadd.s32 $0xFFFFF800  }
0x119: {  	_ =	swait.ge [sflag:s5], $0x800  }
0x11a: {  	[sflag:s5] =	ssyncset.done $0x0  }
0x11b: {  	[sflag:s5] =	ssyncadd.s32 $0xFFFFF800  }
0x11c: {  	_ =	swait.ge [sflag:s5], $0x800  }
0x11d: {  	[sflag:s5] =	ssyncset.done $0x0  }
0x11e: {  	[sflag:s5] =	ssyncadd.s32 $0xFFFFF800  }
0x11f: {  	_ =	swait.ge [sflag:s5], $0x800  }
0x120: {  	[sflag:s5] =	ssyncset.done $0x0  }
0x121: {  	[sflag:s5] =	ssyncadd.s32 $0xFFFFF800  }
0x122: {  	_ =	swait.ge [sflag:s5], $0x800  }
0x123: {  	[sflag:s5] =	ssyncset.done $0x0  }
0x124: {  	[sflag:s5] =	ssyncadd.s32 $0xFFFFF800  }
0x125: {  	_ =	swait.ge [sflag:s5], $0x800  }
0x126: {  	[sflag:s5] =	ssyncset.done $0x0  }
0x127: {  	[sflag:s5] =	ssyncadd.s32 $0xFFFFF800  }
0x128: {  	_ =	swait.ge [sflag:s5], $0x800  }
0x129: {  	[sflag:s5] =	ssyncset.done $0x0  }
0x12a: {  	[sflag:s5] =	ssyncadd.s32 $0xFFFFF800  }
0x12b: {  	_ =	swait.ge [sflag:s5], $0x800  }
0x12c: {  	[sflag:s5] =	ssyncset.done $0x0  }
0x12d: {  	[sflag:s5] =	ssyncadd.s32 $0xFFFFF800  }
0x12e: {  	_ =	swait.ge [sflag:s5], $0x800  }
0x12f: {  	[sflag:s5] =	ssyncset.done $0x0  }
0x130: {  	s10 =	sadd.s32 $0x1, s10;
	[sflag:s5] =	ssyncadd.s32 $0xFFFFF800  }
0x131: {  	p0 =	sne.s32 s10, s6;
	_ =	swait.ge [sflag:s5], $0x800  }
.Ltmp2:
0x132: {  	[sflag:s5] =	ssyncset.done $0x0;
	(pc) =	sbr.rel @p0 .LBB2_1-.Ltmp2, $4  }
0x133: {  	[sflag:s5] =	ssyncadd.s32 $0xFFFFF800  }
0x134: {  	_ =	swait.ge [sflag:s5], $0x800  }
0x135: {  	[sflag:s5] =	ssyncset.done $0x0  }
0x136: {  	[sflag:s5] =	ssyncadd.s32 $0xFFFFF800  }
0x137: {  	_ =	sfence.sel $0x180000  }
0x138: {  	[bflag:$0x0] =	sbarrier.arrive $0xFFFF  }
0x139: {  	p0 =	sne.s32 s0, $0x0;
	_ =	strace $0x90000047  }
0x13a: {  	s0 =	sadd.s32 @!p0 $0x100000, s1;
	[bflag:$0x2] =	sbarrier.arrive $0xFFFF  }
0x13b: {  	[sflag:s0] =	ssyncadd.tile.s32 @!p0 $0x1;
	_ =	shalt  }
.Lfunc_end2:
_tile_overlayer_lowered:
.L_overlay_start_2:
0x13c: {  	(tag) =	ssettag $0x2  }
0x13d: {  	s0 =	rddreg [dreg:$0x0];
	s2 =	stileid.u32  }
0x13e: {  	s1 =	rddreg [dreg:$0x1];
	p0 =	sne.s32 s2, $0x0  }
0x13f: {  	s3 =	rddreg [dreg:$0x2];
	[bflag:$0x3] =	sbarrier.arrive $0xFFFF;
	s2 =	simm.s32 @!p0 $0x1C02  }
0x140: {  	[timem:s3], [sflag:s2] =	dma.local @!p0 [hbm:s0], s1  }
0x141: {  	s0 =	simm.s32 @!p0 $0x2  }
0x142: {  	_ =	swait.ge @!p0 [sflag:s0], s1  }
0x143: {  	s1 =	ssub.s32 @!p0 $0x0, s1;
	[sflag:s0] =	ssyncset.done @!p0 $0x0  }
0x144: {  	[sflag:s0] =	ssyncadd.s32 @!p0 s1  }
0x145: {  	[bflag:$0x3] =	sbarrier.arrive $0xFFFF  }
0x146: {  	_ =	shalt  }

</sc_bundles>
